<compile_context>
chip_gen: v7x
topology: tpu7x:2x2x1
jax: 0.10.2.dev20260603
libtpu: 0.0.44.dev20260713+nightly
codegen_flags: <defaults>
</compile_context>

<pallas_src>
import functools

import jax
import jax.numpy as jnp
from jax import lax
from jax.experimental import pallas as pl
from jax.experimental.pallas import tpu as pltpu
from jax.experimental.pallas import tpu_sc as plsc

T = 2048
D = 1024
NH = 16
NKV = 4
HD = 128
E = 8
TOPK = 2
DFF = 768
EPS = 1e-6
THETA = 1000000.0
HALF = HD // 2

BLK = 256
NBMAX = 22
RMAX = NBMAX * BLK
NW = 32
CHUNK = T // NW


def _rms_norm(x, scale):
    var = jnp.mean(jnp.square(x), axis=-1, keepdims=True)
    return x * jax.lax.rsqrt(var + EPS) * scale


def _apply_rope(x, positions):
    inv_freq = 1.0 / (THETA ** (jnp.arange(0, HALF, dtype=jnp.float32) / HALF))
    freqs = positions.astype(jnp.float32)[:, None] * inv_freq[None, :]
    cos = jnp.cos(freqs)[:, None, :]
    sin = jnp.sin(freqs)[:, None, :]
    x1 = x[..., :HALF]
    x2 = x[..., HALF:]
    return jnp.concatenate([x1 * cos - x2 * sin, x2 * cos + x1 * sin], axis=-1)


def _route_body(a_ref, pos_ref, be_ref):
    cols = jax.lax.broadcasted_iota(jnp.int32, (BLK, 128), 1)
    tri = (jax.lax.broadcasted_iota(jnp.int32, (BLK, BLK), 0)
           > jax.lax.broadcasted_iota(jnp.int32, (BLK, BLK), 1)
           ).astype(jnp.float32)
    nblk = (2 * T) // BLK
    counts = jnp.zeros((1, 128), jnp.float32)
    for b in range(nblk):
        o = (a_ref[b * BLK:(b + 1) * BLK, :] == cols).astype(jnp.float32)
        counts = counts + jnp.sum(o, axis=0, keepdims=True)
    padded = jnp.floor((counts + (BLK - 1)) * (1.0 / BLK)) * BLK
    etri = (jax.lax.broadcasted_iota(jnp.int32, (128, 128), 0)
            < jax.lax.broadcasted_iota(jnp.int32, (128, 128), 1)
            ).astype(jnp.float32)
    off = jnp.dot(padded, etri, preferred_element_type=jnp.float32)
    bstart = (jax.lax.broadcasted_iota(jnp.int32, (128, 128), 0)
              ).astype(jnp.float32) * BLK
    offb = jnp.broadcast_to(off, (128, 128))
    endb = offb + jnp.broadcast_to(padded, (128, 128))
    ind = ((bstart >= offb) & (bstart < endb)).astype(jnp.float32)
    evals = jnp.broadcast_to(
        jax.lax.broadcasted_iota(jnp.int32, (1, 128), 1).astype(jnp.float32),
        (128, 128))
    be = jnp.sum(ind * evals, axis=1, keepdims=True)
    valid = jnp.sum(ind, axis=1, keepdims=True)
    be_ref[...] = jnp.where(valid > 0.0, be, -1.0).astype(jnp.int32)
    carry = jnp.zeros((1, 128), jnp.float32)
    for b in range(nblk):
        o = (a_ref[b * BLK:(b + 1) * BLK, :] == cols).astype(jnp.float32)
        scum = jnp.dot(tri, o, preferred_element_type=jnp.float32)
        base = jnp.broadcast_to(carry + off, (BLK, 128))
        posb = jnp.sum(o * (base + scum), axis=1, keepdims=True)
        pos_ref[b * BLK:(b + 1) * BLK, :] = posb.astype(jnp.int32)
        carry = carry + jnp.sum(o, axis=0, keepdims=True)


def _route(a):
    return pl.pallas_call(
        _route_body,
        in_specs=[pl.BlockSpec((2 * T, 1), lambda: (0, 0))],
        out_specs=[
            pl.BlockSpec((2 * T, 1), lambda: (0, 0)),
            pl.BlockSpec((128, 1), lambda: (0, 0)),
        ],
        out_shape=[
            jax.ShapeDtypeStruct((2 * T, 1), jnp.int32),
            jax.ShapeDtypeStruct((128, 1), jnp.int32),
        ],
    )(a)


@functools.partial(
    pl.kernel,
    mesh=plsc.VectorSubcoreMesh(core_axis_name="c", subcore_axis_name="s"),
    out_type=jax.ShapeDtypeStruct((RMAX, D), jnp.float32),
    scratch_types=[
        pltpu.VMEM((CHUNK, D), jnp.float32),
        pltpu.VMEM((2, CHUNK), jnp.int32),
        pltpu.SemaphoreType.DMA,
    ],
)
def _sc_dispatch(h2_hbm, pos2_hbm, x_hbm, rows_v, idx_v, sem):
    wid = lax.axis_index("s") * 2 + lax.axis_index("c")
    pltpu.sync_copy(pos2_hbm.at[0].at[pl.ds(wid * CHUNK, CHUNK)], idx_v.at[0])
    pltpu.sync_copy(pos2_hbm.at[1].at[pl.ds(wid * CHUNK, CHUNK)], idx_v.at[1])
    pltpu.sync_copy(h2_hbm.at[pl.ds(wid * CHUNK, CHUNK)], rows_v)
    pltpu.async_copy(rows_v, x_hbm.at[idx_v.at[0]], sem).wait()
    pltpu.async_copy(rows_v, x_hbm.at[idx_v.at[1]], sem).wait()


def _ffn_body(be_sref, x_ref, wg_ref, wu_ref, wd_ref, y_ref):
    b = pl.program_id(0)

    @pl.when(be_sref[b] >= 0)
    def _():
        x = x_ref[...]
        g = jnp.dot(x, wg_ref[0], preferred_element_type=jnp.float32)
        u = jnp.dot(x, wu_ref[0], preferred_element_type=jnp.float32)
        a = (g / (1.0 + jnp.exp(-g))) * u
        y_ref[...] = jnp.dot(a, wd_ref[0], preferred_element_type=jnp.float32)

    @pl.when(be_sref[b] < 0)
    def _():
        y_ref[...] = jnp.zeros_like(y_ref)


def _ffn(be, x, W_gate, W_up, W_down):
    grid_spec = pltpu.PrefetchScalarGridSpec(
        num_scalar_prefetch=1,
        grid=(NBMAX,),
        in_specs=[
            pl.BlockSpec((BLK, D), lambda b, be: (b, 0)),
            pl.BlockSpec((1, D, DFF), lambda b, be: (jnp.maximum(be[b], 0), 0, 0)),
            pl.BlockSpec((1, D, DFF), lambda b, be: (jnp.maximum(be[b], 0), 0, 0)),
            pl.BlockSpec((1, DFF, D), lambda b, be: (jnp.maximum(be[b], 0), 0, 0)),
        ],
        out_specs=pl.BlockSpec((BLK, D), lambda b, be: (b, 0)),
    )
    return pl.pallas_call(
        _ffn_body,
        grid_spec=grid_spec,
        out_shape=jax.ShapeDtypeStruct((RMAX, D), jnp.float32),
        compiler_params=pltpu.CompilerParams(
            dimension_semantics=("arbitrary",)),
    )(be, x, W_gate, W_up, W_down)


@functools.partial(
    pl.kernel,
    mesh=plsc.VectorSubcoreMesh(core_axis_name="c", subcore_axis_name="s"),
    out_type=[
        jax.ShapeDtypeStruct((T, D), jnp.float32),
        jax.ShapeDtypeStruct((T, D), jnp.float32),
    ],
    scratch_types=[
        pltpu.VMEM((CHUNK, D), jnp.float32),
        pltpu.VMEM((2, CHUNK), jnp.int32),
        pltpu.SemaphoreType.DMA,
    ],
)
def _sc_combine(y_hbm, pos2_hbm, y0_hbm, y1_hbm, rows_v, idx_v, sem):
    wid = lax.axis_index("s") * 2 + lax.axis_index("c")
    pltpu.sync_copy(pos2_hbm.at[0].at[pl.ds(wid * CHUNK, CHUNK)], idx_v.at[0])
    pltpu.sync_copy(pos2_hbm.at[1].at[pl.ds(wid * CHUNK, CHUNK)], idx_v.at[1])
    pltpu.async_copy(y_hbm.at[idx_v.at[0]], rows_v, sem).wait()
    pltpu.sync_copy(rows_v, y0_hbm.at[pl.ds(wid * CHUNK, CHUNK)])
    pltpu.async_copy(y_hbm.at[idx_v.at[1]], rows_v, sem).wait()
    pltpu.sync_copy(rows_v, y1_hbm.at[pl.ds(wid * CHUNK, CHUNK)])


def _mix_body(y0_ref, y1_ref, w0_ref, w1_ref, out_ref):
    out_ref[...] = w0_ref[...] * y0_ref[...] + w1_ref[...] * y1_ref[...]


def _mix(y0, y1, w0, w1):
    BTX = 512
    return pl.pallas_call(
        _mix_body,
        grid=(T // BTX,),
        in_specs=[
            pl.BlockSpec((BTX, D), lambda i: (i, 0)),
            pl.BlockSpec((BTX, D), lambda i: (i, 0)),
            pl.BlockSpec((BTX, 1), lambda i: (i, 0)),
            pl.BlockSpec((BTX, 1), lambda i: (i, 0)),
        ],
        out_specs=pl.BlockSpec((BTX, D), lambda i: (i, 0)),
        out_shape=jax.ShapeDtypeStruct((T, D), jnp.float32),
        compiler_params=pltpu.CompilerParams(
            dimension_semantics=("parallel",)),
    )(y0, y1, w0, w1)


def kernel(positions, hidden_states, Wq, Wk, Wv, Wo, q_norm_scale,
           k_norm_scale, input_ln_scale, post_ln_scale, Wg, W_gate, W_up,
           W_down):
    residual = hidden_states
    h = _rms_norm(hidden_states, input_ln_scale)
    q = (h @ Wq).reshape(T, NH, HD)
    k = (h @ Wk).reshape(T, NKV, HD)
    v = (h @ Wv).reshape(T, NKV, HD)
    q = _rms_norm(q, q_norm_scale)
    k = _rms_norm(k, k_norm_scale)
    q = _apply_rope(q, positions)
    k = _apply_rope(k, positions)
    rep = NH // NKV
    k = jnp.repeat(k, rep, axis=1)
    v = jnp.repeat(v, rep, axis=1)
    qh = q.transpose(1, 0, 2)
    kh = k.transpose(1, 0, 2)
    vh = v.transpose(1, 0, 2)
    scores = jnp.einsum('htd,hsd->hts', qh, kh) * (HD ** -0.5)
    causal = jnp.tril(jnp.ones((T, T), dtype=bool))
    scores = jnp.where(causal[None, :, :], scores, jnp.float32(-1e30))
    probs = jax.nn.softmax(scores, axis=-1)
    attn = jnp.einsum('hts,hsd->htd', probs, vh)
    attn = attn.transpose(1, 0, 2).reshape(T, NH * HD)
    attn_out = attn @ Wo
    h2r = attn_out + residual
    residual2 = h2r
    h2 = _rms_norm(h2r, post_ln_scale)
    router_logits = h2 @ Wg
    router_probs = jax.nn.softmax(router_logits.astype(jnp.float32), axis=-1)
    topk_w, topk_idx = jax.lax.top_k(router_probs, TOPK)
    topk_w = topk_w / jnp.sum(topk_w, axis=-1, keepdims=True)

    a = topk_idx.transpose(1, 0).reshape(2 * T, 1).astype(jnp.int32)
    pos, be = _route(a)
    pos2 = pos.reshape(2, T)
    x_sorted = _sc_dispatch(h2, pos2)
    y = _ffn(be.reshape(128)[:NBMAX], x_sorted, W_gate, W_up, W_down)
    y0, y1 = _sc_combine(y, pos2)
    out = _mix(y0, y1, topk_w[:, 0:1], topk_w[:, 1:2])
    return (out, residual2)

# --- scband reference (transcript-rebuilt; emitter-appended) ---
"""Pipeline reference for scband-qwen3-moe-decoder-layer-24618752541338 (READ-ONLY COPY).

The authoritative reference and input builder live on the scoring server;
editing this copy changes nothing except your own understanding.
"""

import jax, jax.numpy as jnp
import numpy as np

T = 2048
D = 1024
NH = 16
NKV = 4
HD = 128
E = 8
TOPK = 2
DFF = 768
EPS = 1e-6
THETA = 1000000.0


def rms_norm(x, scale, eps=EPS):
    var = jnp.mean(jnp.square(x), axis=-1, keepdims=True)
    return x * jax.lax.rsqrt(var + eps) * scale


def apply_rope(x, positions):
    # neox-style rotary embedding over full head_dim
    half = HD // 2
    inv_freq = 1.0 / (THETA ** (jnp.arange(0, half, dtype=jnp.float32) / half))
    freqs = positions.astype(jnp.float32)[:, None] * inv_freq[None, :]  # [T, half]
    cos = jnp.cos(freqs)[:, None, :]
    sin = jnp.sin(freqs)[:, None, :]
    x1 = x[..., :half]
    x2 = x[..., half:]
    return jnp.concatenate([x1 * cos - x2 * sin, x2 * cos + x1 * sin], axis=-1)


def setup_inputs(seed: int = 0) -> dict:
    key = jax.random.key(seed)
    ks = jax.random.split(key, 12)
    s = 0.02
    inp = {}
    inp["positions"] = jnp.arange(T, dtype=jnp.int32)
    inp["hidden_states"] = jax.random.normal(ks[0], (T, D), dtype=jnp.float32)
    inp["Wq"] = jax.random.normal(ks[1], (D, NH * HD), dtype=jnp.float32) * s
    inp["Wk"] = jax.random.normal(ks[2], (D, NKV * HD), dtype=jnp.float32) * s
    inp["Wv"] = jax.random.normal(ks[3], (D, NKV * HD), dtype=jnp.float32) * s
    inp["Wo"] = jax.random.normal(ks[4], (NH * HD, D), dtype=jnp.float32) * s
    inp["q_norm_scale"] = jnp.ones((HD,), dtype=jnp.float32)
    inp["k_norm_scale"] = jnp.ones((HD,), dtype=jnp.float32)
    inp["input_ln_scale"] = jnp.ones((D,), dtype=jnp.float32)
    inp["post_ln_scale"] = jnp.ones((D,), dtype=jnp.float32)
    inp["Wg"] = jax.random.normal(ks[5], (D, E), dtype=jnp.float32) * s
    inp["W_gate"] = jax.random.normal(ks[6], (E, D, DFF), dtype=jnp.float32) * s
    inp["W_up"] = jax.random.normal(ks[7], (E, D, DFF), dtype=jnp.float32) * s
    inp["W_down"] = jax.random.normal(ks[8], (E, DFF, D), dtype=jnp.float32) * s
    return inp


def reference(positions, hidden_states, Wq, Wk, Wv, Wo, q_norm_scale, k_norm_scale, input_ln_scale, post_ln_scale, Wg, W_gate, W_up, W_down):
    # ---- input layernorm + attention ----
    residual = hidden_states
    h = rms_norm(hidden_states, input_ln_scale)
    q = (h @ Wq).reshape(T, NH, HD)
    k = (h @ Wk).reshape(T, NKV, HD)
    v = (h @ Wv).reshape(T, NKV, HD)
    q = rms_norm(q, q_norm_scale)
    k = rms_norm(k, k_norm_scale)
    q = apply_rope(q, positions)
    k = apply_rope(k, positions)
    rep = NH // NKV
    k = jnp.repeat(k, rep, axis=1)
    v = jnp.repeat(v, rep, axis=1)
    qh = q.transpose(1, 0, 2)
    kh = k.transpose(1, 0, 2)
    vh = v.transpose(1, 0, 2)
    scores = jnp.einsum('htd,hsd->hts', qh, kh) * (HD ** -0.5)
    causal = jnp.tril(jnp.ones((T, T), dtype=bool))
    scores = jnp.where(causal[None, :, :], scores, jnp.float32(-1e30))
    probs = jax.nn.softmax(scores, axis=-1)
    attn = jnp.einsum('hts,hsd->htd', probs, vh)
    attn = attn.transpose(1, 0, 2).reshape(T, NH * HD)
    attn_out = attn @ Wo
    # ---- residual + post-attention layernorm ----
    h = attn_out + residual
    residual2 = h
    h = rms_norm(h, post_ln_scale)
    # ---- MoE: router gate + top-k dispatch/combine ----
    router_logits = h @ Wg
    router_probs = jax.nn.softmax(router_logits.astype(jnp.float32), axis=-1)
    topk_w, topk_idx = jax.lax.top_k(router_probs, TOPK)
    topk_w = topk_w / jnp.sum(topk_w, axis=-1, keepdims=True)
    combine = jnp.zeros((T, E), dtype=jnp.float32).at[jnp.arange(T)[:, None], topk_idx].add(topk_w)
    # ---- expert FFNs (SwiGLU), dense-per-expert then weighted combine ----
    gate = jnp.einsum('td,edf->tef', h, W_gate)
    up = jnp.einsum('td,edf->tef', h, W_up)
    act = jax.nn.silu(gate) * up
    expert_out = jnp.einsum('tef,efd->ted', act, W_down)
    out = jnp.einsum('te,ted->td', combine, expert_out)
    return (out, residual2)

if __name__ == "__main__":
    import jax
    _d = setup_inputs()
    print(jax.jit(kernel)(*tuple(_d.values())))

</pallas_src>

<mosaic_0001>
#map = affine_map<(d0, d1) -> (0, 0)>
module attributes {stable_mosaic.version = 14 : i64} {
  func.func @_sc_dispatch(%arg0: i32, %arg1: i32, %arg2: memref<2048x1024xf32, #tpu.memory_space<hbm>>, %arg3: memref<2x2048xi32, #tpu.memory_space<hbm>>, %arg4: memref<5632x1024xf32, #tpu.memory_space<hbm>>, %arg5: memref<64x1024xf32, #tpu.memory_space<vmem>>, %arg6: memref<2x64xi32, #tpu.memory_space<vmem>>, %arg7: memref<!tpu.dma_semaphore, #tpu.memory_space<semaphore_mem>>) attributes {dimension_semantics = [#tpu.dimension_semantics<core_parallel>, #tpu.dimension_semantics<subcore_parallel>], iteration_bounds = array<i64: 2, 16>, scalar_prefetch = 0 : i64, scratch_operands = 3 : i64, tpu.core_type = #tpu.core_type<sc_vector_subcore>, window_params = [{transform_indices = #map}, {transform_indices = #map}, {transform_indices = #map}]} {
    %mul3A = arith.constant 2 : i32
    %mul3A_0 = arith.muli %arg1, %mul3A : i32
    %add3A = arith.addi %mul3A_0, %arg0 : i32
    %mul3A_1 = arith.constant 64 : i32
    %mul3A_2 = arith.muli %add3A, %mul3A_1 : i32
    %run_scoped3A = arith.constant 0 : i32
    %run_scoped3A_3 = arith.constant 0 : i32
    "tpu.region"() ({
      %run_scoped3A_36 = tpu.sem_alloc : memref<!tpu.dma_semaphore, #tpu.memory_space<semaphore_mem>>
      %dma_start3A_37 = arith.constant 0 : i32
      %dma_start3A_38 = tpu.memref_slice %arg6[%run_scoped3A_3, %dma_start3A_37] : memref<2x64xi32, #tpu.memory_space<vmem>> -> memref<1x64xi32, #tpu.memory_space<vmem>>
      %dma_start3A_39 = tpu.memref_squeeze %dma_start3A_38 : memref<1x64xi32, #tpu.memory_space<vmem>> -> memref<64xi32, #tpu.memory_space<vmem>>
      %dma_start3A_40 = arith.constant 0 : i32
      %dma_start3A_41 = tpu.memref_slice %arg3[%run_scoped3A, %dma_start3A_40] : memref<2x2048xi32, #tpu.memory_space<hbm>> -> memref<1x2048xi32, #tpu.memory_space<hbm>>
      %dma_start3A_42 = tpu.memref_squeeze %dma_start3A_41 : memref<1x2048xi32, #tpu.memory_space<hbm>> -> memref<2048xi32, #tpu.memory_space<hbm>>
      %dma_start3A_43 = tpu.memref_slice %dma_start3A_42[%mul3A_2] : memref<2048xi32, #tpu.memory_space<hbm>> -> memref<64xi32, #tpu.memory_space<hbm>>
      %dma_start3A_44 = arith.constant 0 : i32
      %dma_start3A_45 = tpu.memref_slice %arg6[%run_scoped3A_3, %dma_start3A_44] : memref<2x64xi32, #tpu.memory_space<vmem>> -> memref<1x64xi32, #tpu.memory_space<vmem>>
      %dma_start3A_46 = tpu.memref_squeeze %dma_start3A_45 : memref<1x64xi32, #tpu.memory_space<vmem>> -> memref<64xi32, #tpu.memory_space<vmem>>
      %dma_start3A_47 = arith.constant 0 : i32
      %dma_start3A_48 = tpu.memref_slice %arg3[%run_scoped3A, %dma_start3A_47] : memref<2x2048xi32, #tpu.memory_space<hbm>> -> memref<1x2048xi32, #tpu.memory_space<hbm>>
      %dma_start3A_49 = tpu.memref_squeeze %dma_start3A_48 : memref<1x2048xi32, #tpu.memory_space<hbm>> -> memref<2048xi32, #tpu.memory_space<hbm>>
      %dma_start3A_50 = tpu.memref_slice %dma_start3A_49[%mul3A_2] : memref<2048xi32, #tpu.memory_space<hbm>> -> memref<64xi32, #tpu.memory_space<hbm>>
      tpu.enqueue_dma source(%dma_start3A_50 : memref<64xi32, #tpu.memory_space<hbm>>) target(%dma_start3A_46 : memref<64xi32, #tpu.memory_space<vmem>>) target_semaphore(%run_scoped3A_36 : memref<!tpu.dma_semaphore, #tpu.memory_space<semaphore_mem>>)
      %dma_wait3A_51 = arith.constant 0 : i32
      %dma_wait3A_52 = tpu.memref_slice %arg6[%run_scoped3A_3, %dma_wait3A_51] : memref<2x64xi32, #tpu.memory_space<vmem>> -> memref<1x64xi32, #tpu.memory_space<vmem>>
      %dma_wait3A_53 = tpu.memref_squeeze %dma_wait3A_52 : memref<1x64xi32, #tpu.memory_space<vmem>> -> memref<64xi32, #tpu.memory_space<vmem>>
      %dma_wait3A_54 = arith.constant 0 : i32
      %dma_wait3A_55 = tpu.memref_slice %arg3[%run_scoped3A, %dma_wait3A_54] : memref<2x2048xi32, #tpu.memory_space<hbm>> -> memref<1x2048xi32, #tpu.memory_space<hbm>>
      %dma_wait3A_56 = tpu.memref_squeeze %dma_wait3A_55 : memref<1x2048xi32, #tpu.memory_space<hbm>> -> memref<2048xi32, #tpu.memory_space<hbm>>
      %dma_wait3A_57 = tpu.memref_slice %dma_wait3A_56[%mul3A_2] : memref<2048xi32, #tpu.memory_space<hbm>> -> memref<64xi32, #tpu.memory_space<hbm>>
      %dma_wait3A_58 = arith.constant 0 : i32
      %dma_wait3A_59 = tpu.memref_slice %arg6[%run_scoped3A_3, %dma_wait3A_58] : memref<2x64xi32, #tpu.memory_space<vmem>> -> memref<1x64xi32, #tpu.memory_space<vmem>>
      %dma_wait3A_60 = tpu.memref_squeeze %dma_wait3A_59 : memref<1x64xi32, #tpu.memory_space<vmem>> -> memref<64xi32, #tpu.memory_space<vmem>>
      %dma_wait3A_61 = arith.constant 0 : i32
      %dma_wait3A_62 = tpu.memref_slice %arg3[%run_scoped3A, %dma_wait3A_61] : memref<2x2048xi32, #tpu.memory_space<hbm>> -> memref<1x2048xi32, #tpu.memory_space<hbm>>
      %dma_wait3A_63 = tpu.memref_squeeze %dma_wait3A_62 : memref<1x2048xi32, #tpu.memory_space<hbm>> -> memref<2048xi32, #tpu.memory_space<hbm>>
      %dma_wait3A_64 = tpu.memref_slice %dma_wait3A_63[%mul3A_2] : memref<2048xi32, #tpu.memory_space<hbm>> -> memref<64xi32, #tpu.memory_space<hbm>>
      tpu.wait_dma2 semaphore(%run_scoped3A_36 : memref<!tpu.dma_semaphore, #tpu.memory_space<semaphore_mem>>) src(%dma_wait3A_64 : memref<64xi32, #tpu.memory_space<hbm>>) dst(%dma_wait3A_60 : memref<64xi32, #tpu.memory_space<vmem>>)
      tpu.yield
    }) : () -> ()
    %mul3A_4 = arith.constant 64 : i32
    %mul3A_5 = arith.muli %add3A, %mul3A_4 : i32
    %run_scoped3A_6 = arith.constant 1 : i32
    %run_scoped3A_7 = arith.constant 1 : i32
    "tpu.region"() ({
      %run_scoped3A_36 = tpu.sem_alloc : memref<!tpu.dma_semaphore, #tpu.memory_space<semaphore_mem>>
      %dma_start3A_37 = arith.constant 0 : i32
      %dma_start3A_38 = tpu.memref_slice %arg6[%run_scoped3A_7, %dma_start3A_37] : memref<2x64xi32, #tpu.memory_space<vmem>> -> memref<1x64xi32, #tpu.memory_space<vmem>>
      %dma_start3A_39 = tpu.memref_squeeze %dma_start3A_38 : memref<1x64xi32, #tpu.memory_space<vmem>> -> memref<64xi32, #tpu.memory_space<vmem>>
      %dma_start3A_40 = arith.constant 0 : i32
      %dma_start3A_41 = tpu.memref_slice %arg3[%run_scoped3A_6, %dma_start3A_40] : memref<2x2048xi32, #tpu.memory_space<hbm>> -> memref<1x2048xi32, #tpu.memory_space<hbm>>
      %dma_start3A_42 = tpu.memref_squeeze %dma_start3A_41 : memref<1x2048xi32, #tpu.memory_space<hbm>> -> memref<2048xi32, #tpu.memory_space<hbm>>
      %dma_start3A_43 = tpu.memref_slice %dma_start3A_42[%mul3A_5] : memref<2048xi32, #tpu.memory_space<hbm>> -> memref<64xi32, #tpu.memory_space<hbm>>
      %dma_start3A_44 = arith.constant 0 : i32
      %dma_start3A_45 = tpu.memref_slice %arg6[%run_scoped3A_7, %dma_start3A_44] : memref<2x64xi32, #tpu.memory_space<vmem>> -> memref<1x64xi32, #tpu.memory_space<vmem>>
      %dma_start3A_46 = tpu.memref_squeeze %dma_start3A_45 : memref<1x64xi32, #tpu.memory_space<vmem>> -> memref<64xi32, #tpu.memory_space<vmem>>
      %dma_start3A_47 = arith.constant 0 : i32
      %dma_start3A_48 = tpu.memref_slice %arg3[%run_scoped3A_6, %dma_start3A_47] : memref<2x2048xi32, #tpu.memory_space<hbm>> -> memref<1x2048xi32, #tpu.memory_space<hbm>>
      %dma_start3A_49 = tpu.memref_squeeze %dma_start3A_48 : memref<1x2048xi32, #tpu.memory_space<hbm>> -> memref<2048xi32, #tpu.memory_space<hbm>>
      %dma_start3A_50 = tpu.memref_slice %dma_start3A_49[%mul3A_5] : memref<2048xi32, #tpu.memory_space<hbm>> -> memref<64xi32, #tpu.memory_space<hbm>>
      tpu.enqueue_dma source(%dma_start3A_50 : memref<64xi32, #tpu.memory_space<hbm>>) target(%dma_start3A_46 : memref<64xi32, #tpu.memory_space<vmem>>) target_semaphore(%run_scoped3A_36 : memref<!tpu.dma_semaphore, #tpu.memory_space<semaphore_mem>>)
      %dma_wait3A_51 = arith.constant 0 : i32
      %dma_wait3A_52 = tpu.memref_slice %arg6[%run_scoped3A_7, %dma_wait3A_51] : memref<2x64xi32, #tpu.memory_space<vmem>> -> memref<1x64xi32, #tpu.memory_space<vmem>>
      %dma_wait3A_53 = tpu.memref_squeeze %dma_wait3A_52 : memref<1x64xi32, #tpu.memory_space<vmem>> -> memref<64xi32, #tpu.memory_space<vmem>>
      %dma_wait3A_54 = arith.constant 0 : i32
      %dma_wait3A_55 = tpu.memref_slice %arg3[%run_scoped3A_6, %dma_wait3A_54] : memref<2x2048xi32, #tpu.memory_space<hbm>> -> memref<1x2048xi32, #tpu.memory_space<hbm>>
      %dma_wait3A_56 = tpu.memref_squeeze %dma_wait3A_55 : memref<1x2048xi32, #tpu.memory_space<hbm>> -> memref<2048xi32, #tpu.memory_space<hbm>>
      %dma_wait3A_57 = tpu.memref_slice %dma_wait3A_56[%mul3A_5] : memref<2048xi32, #tpu.memory_space<hbm>> -> memref<64xi32, #tpu.memory_space<hbm>>
      %dma_wait3A_58 = arith.constant 0 : i32
      %dma_wait3A_59 = tpu.memref_slice %arg6[%run_scoped3A_7, %dma_wait3A_58] : memref<2x64xi32, #tpu.memory_space<vmem>> -> memref<1x64xi32, #tpu.memory_space<vmem>>
      %dma_wait3A_60 = tpu.memref_squeeze %dma_wait3A_59 : memref<1x64xi32, #tpu.memory_space<vmem>> -> memref<64xi32, #tpu.memory_space<vmem>>
      %dma_wait3A_61 = arith.constant 0 : i32
      %dma_wait3A_62 = tpu.memref_slice %arg3[%run_scoped3A_6, %dma_wait3A_61] : memref<2x2048xi32, #tpu.memory_space<hbm>> -> memref<1x2048xi32, #tpu.memory_space<hbm>>
      %dma_wait3A_63 = tpu.memref_squeeze %dma_wait3A_62 : memref<1x2048xi32, #tpu.memory_space<hbm>> -> memref<2048xi32, #tpu.memory_space<hbm>>
      %dma_wait3A_64 = tpu.memref_slice %dma_wait3A_63[%mul3A_5] : memref<2048xi32, #tpu.memory_space<hbm>> -> memref<64xi32, #tpu.memory_space<hbm>>
      tpu.wait_dma2 semaphore(%run_scoped3A_36 : memref<!tpu.dma_semaphore, #tpu.memory_space<semaphore_mem>>) src(%dma_wait3A_64 : memref<64xi32, #tpu.memory_space<hbm>>) dst(%dma_wait3A_60 : memref<64xi32, #tpu.memory_space<vmem>>)
      tpu.yield
    }) : () -> ()
    %mul3A_8 = arith.constant 64 : i32
    %mul3A_9 = arith.muli %add3A, %mul3A_8 : i32
    "tpu.region"() ({
      %run_scoped3A_36 = tpu.sem_alloc : memref<!tpu.dma_semaphore, #tpu.memory_space<semaphore_mem>>
      %dma_start3A_37 = arith.constant 0 : i32
      %dma_start3A_38 = tpu.memref_slice %arg2[%mul3A_9, %dma_start3A_37] : memref<2048x1024xf32, #tpu.memory_space<hbm>> -> memref<64x1024xf32, #tpu.memory_space<hbm>>
      %dma_start3A_39 = arith.constant 0 : i32
      %dma_start3A_40 = tpu.memref_slice %arg2[%mul3A_9, %dma_start3A_39] : memref<2048x1024xf32, #tpu.memory_space<hbm>> -> memref<64x1024xf32, #tpu.memory_space<hbm>>
      tpu.enqueue_dma source(%dma_start3A_40 : memref<64x1024xf32, #tpu.memory_space<hbm>>) target(%arg5 : memref<64x1024xf32, #tpu.memory_space<vmem>>) target_semaphore(%run_scoped3A_36 : memref<!tpu.dma_semaphore, #tpu.memory_space<semaphore_mem>>)
      %dma_wait3A_41 = arith.constant 0 : i32
      %dma_wait3A_42 = tpu.memref_slice %arg2[%mul3A_9, %dma_wait3A_41] : memref<2048x1024xf32, #tpu.memory_space<hbm>> -> memref<64x1024xf32, #tpu.memory_space<hbm>>
      %dma_wait3A_43 = arith.constant 0 : i32
      %dma_wait3A_44 = tpu.memref_slice %arg2[%mul3A_9, %dma_wait3A_43] : memref<2048x1024xf32, #tpu.memory_space<hbm>> -> memref<64x1024xf32, #tpu.memory_space<hbm>>
      tpu.wait_dma2 semaphore(%run_scoped3A_36 : memref<!tpu.dma_semaphore, #tpu.memory_space<semaphore_mem>>) src(%dma_wait3A_44 : memref<64x1024xf32, #tpu.memory_space<hbm>>) dst(%arg5 : memref<64x1024xf32, #tpu.memory_space<vmem>>)
      tpu.yield
    }) : () -> ()
    %dma_start3A = arith.constant 0 : i32
    %dma_start3A_10 = arith.constant 0 : i32
    %dma_start3A_11 = tpu.memref_slice %arg6[%dma_start3A, %dma_start3A_10] : memref<2x64xi32, #tpu.memory_space<vmem>> -> memref<1x64xi32, #tpu.memory_space<vmem>>
    %dma_start3A_12 = tpu.memref_squeeze %dma_start3A_11 : memref<1x64xi32, #tpu.memory_space<vmem>> -> memref<64xi32, #tpu.memory_space<vmem>>
    %dma_start3A_13 = arith.constant 0 : i32
    %dma_start3A_14 = arith.constant 0 : i32
    %dma_start3A_15 = tpu.memref_slice %arg4[%dma_start3A_13, %dma_start3A_14] : memref<5632x1024xf32, #tpu.memory_space<hbm>> -> memref<5632x1024xf32, #tpu.memory_space<hbm>>
    tpu.enqueue_indirect_dma source(%arg5 : memref<64x1024xf32, #tpu.memory_space<vmem>>) target(%dma_start3A_15 : memref<5632x1024xf32, #tpu.memory_space<hbm>>) offsets(%dma_start3A_12 : memref<64xi32, #tpu.memory_space<vmem>>) semaphore(%arg7 : memref<!tpu.dma_semaphore, #tpu.memory_space<semaphore_mem>>)
    %dma_wait3A = arith.constant 0 : i32
    %dma_wait3A_16 = arith.constant 0 : i32
    %dma_wait3A_17 = tpu.memref_slice %arg6[%dma_wait3A, %dma_wait3A_16] : memref<2x64xi32, #tpu.memory_space<vmem>> -> memref<1x64xi32, #tpu.memory_space<vmem>>
    %dma_wait3A_18 = tpu.memref_squeeze %dma_wait3A_17 : memref<1x64xi32, #tpu.memory_space<vmem>> -> memref<64xi32, #tpu.memory_space<vmem>>
    %dma_wait3A_19 = arith.constant 0 : i32
    %dma_wait3A_20 = arith.constant 0 : i32
    %dma_wait3A_21 = tpu.memref_slice %arg4[%dma_wait3A_19, %dma_wait3A_20] : memref<5632x1024xf32, #tpu.memory_space<hbm>> -> memref<5632x1024xf32, #tpu.memory_space<hbm>>
    tpu.wait_indirect_dma semaphore(%arg7 : memref<!tpu.dma_semaphore, #tpu.memory_space<semaphore_mem>>) src(%arg5 : memref<64x1024xf32, #tpu.memory_space<vmem>>) dst(%dma_wait3A_21 : memref<5632x1024xf32, #tpu.memory_space<hbm>>)
    %dma_start3A_22 = arith.constant 1 : i32
    %dma_start3A_23 = arith.constant 0 : i32
    %dma_start3A_24 = tpu.memref_slice %arg6[%dma_start3A_22, %dma_start3A_23] : memref<2x64xi32, #tpu.memory_space<vmem>> -> memref<1x64xi32, #tpu.memory_space<vmem>>
    %dma_start3A_25 = tpu.memref_squeeze %dma_start3A_24 : memref<1x64xi32, #tpu.memory_space<vmem>> -> memref<64xi32, #tpu.memory_space<vmem>>
    %dma_start3A_26 = arith.constant 0 : i32
    %dma_start3A_27 = arith.constant 0 : i32
    %dma_start3A_28 = tpu.memref_slice %arg4[%dma_start3A_26, %dma_start3A_27] : memref<5632x1024xf32, #tpu.memory_space<hbm>> -> memref<5632x1024xf32, #tpu.memory_space<hbm>>
    tpu.enqueue_indirect_dma source(%arg5 : memref<64x1024xf32, #tpu.memory_space<vmem>>) target(%dma_start3A_28 : memref<5632x1024xf32, #tpu.memory_space<hbm>>) offsets(%dma_start3A_25 : memref<64xi32, #tpu.memory_space<vmem>>) semaphore(%arg7 : memref<!tpu.dma_semaphore, #tpu.memory_space<semaphore_mem>>)
    %dma_wait3A_29 = arith.constant 1 : i32
    %dma_wait3A_30 = arith.constant 0 : i32
    %dma_wait3A_31 = tpu.memref_slice %arg6[%dma_wait3A_29, %dma_wait3A_30] : memref<2x64xi32, #tpu.memory_space<vmem>> -> memref<1x64xi32, #tpu.memory_space<vmem>>
    %dma_wait3A_32 = tpu.memref_squeeze %dma_wait3A_31 : memref<1x64xi32, #tpu.memory_space<vmem>> -> memref<64xi32, #tpu.memory_space<vmem>>
    %dma_wait3A_33 = arith.constant 0 : i32
    %dma_wait3A_34 = arith.constant 0 : i32
    %dma_wait3A_35 = tpu.memref_slice %arg4[%dma_wait3A_33, %dma_wait3A_34] : memref<5632x1024xf32, #tpu.memory_space<hbm>> -> memref<5632x1024xf32, #tpu.memory_space<hbm>>
    tpu.wait_indirect_dma semaphore(%arg7 : memref<!tpu.dma_semaphore, #tpu.memory_space<semaphore_mem>>) src(%arg5 : memref<64x1024xf32, #tpu.memory_space<vmem>>) dst(%dma_wait3A_35 : memref<5632x1024xf32, #tpu.memory_space<hbm>>)
    return
  }
}

#map = affine_map<(d0, d1) -> (0, 0)>
module attributes {stable_mosaic.version = 14 : i64} {
  func.func @_sc_combine(%arg0: i32, %arg1: i32, %arg2: memref<5632x1024xf32, #tpu.memory_space<hbm>>, %arg3: memref<2x2048xi32, #tpu.memory_space<hbm>>, %arg4: memref<2048x1024xf32, #tpu.memory_space<hbm>>, %arg5: memref<2048x1024xf32, #tpu.memory_space<hbm>>, %arg6: memref<64x1024xf32, #tpu.memory_space<vmem>>, %arg7: memref<2x64xi32, #tpu.memory_space<vmem>>, %arg8: memref<!tpu.dma_semaphore, #tpu.memory_space<semaphore_mem>>) attributes {dimension_semantics = [#tpu.dimension_semantics<core_parallel>, #tpu.dimension_semantics<subcore_parallel>], iteration_bounds = array<i64: 2, 16>, scalar_prefetch = 0 : i64, scratch_operands = 3 : i64, tpu.core_type = #tpu.core_type<sc_vector_subcore>, window_params = [{transform_indices = #map}, {transform_indices = #map}, {transform_indices = #map}, {transform_indices = #map}]} {
    %mul3A = arith.constant 2 : i32
    %mul3A_0 = arith.muli %arg1, %mul3A : i32
    %add3A = arith.addi %mul3A_0, %arg0 : i32
    %mul3A_1 = arith.constant 64 : i32
    %mul3A_2 = arith.muli %add3A, %mul3A_1 : i32
    %run_scoped3A = arith.constant 0 : i32
    %run_scoped3A_3 = arith.constant 0 : i32
    "tpu.region"() ({
      %run_scoped3A_38 = tpu.sem_alloc : memref<!tpu.dma_semaphore, #tpu.memory_space<semaphore_mem>>
      %dma_start3A_39 = arith.constant 0 : i32
      %dma_start3A_40 = tpu.memref_slice %arg7[%run_scoped3A_3, %dma_start3A_39] : memref<2x64xi32, #tpu.memory_space<vmem>> -> memref<1x64xi32, #tpu.memory_space<vmem>>
      %dma_start3A_41 = tpu.memref_squeeze %dma_start3A_40 : memref<1x64xi32, #tpu.memory_space<vmem>> -> memref<64xi32, #tpu.memory_space<vmem>>
      %dma_start3A_42 = arith.constant 0 : i32
      %dma_start3A_43 = tpu.memref_slice %arg3[%run_scoped3A, %dma_start3A_42] : memref<2x2048xi32, #tpu.memory_space<hbm>> -> memref<1x2048xi32, #tpu.memory_space<hbm>>
      %dma_start3A_44 = tpu.memref_squeeze %dma_start3A_43 : memref<1x2048xi32, #tpu.memory_space<hbm>> -> memref<2048xi32, #tpu.memory_space<hbm>>
      %dma_start3A_45 = tpu.memref_slice %dma_start3A_44[%mul3A_2] : memref<2048xi32, #tpu.memory_space<hbm>> -> memref<64xi32, #tpu.memory_space<hbm>>
      %dma_start3A_46 = arith.constant 0 : i32
      %dma_start3A_47 = tpu.memref_slice %arg7[%run_scoped3A_3, %dma_start3A_46] : memref<2x64xi32, #tpu.memory_space<vmem>> -> memref<1x64xi32, #tpu.memory_space<vmem>>
      %dma_start3A_48 = tpu.memref_squeeze %dma_start3A_47 : memref<1x64xi32, #tpu.memory_space<vmem>> -> memref<64xi32, #tpu.memory_space<vmem>>
      %dma_start3A_49 = arith.constant 0 : i32
      %dma_start3A_50 = tpu.memref_slice %arg3[%run_scoped3A, %dma_start3A_49] : memref<2x2048xi32, #tpu.memory_space<hbm>> -> memref<1x2048xi32, #tpu.memory_space<hbm>>
      %dma_start3A_51 = tpu.memref_squeeze %dma_start3A_50 : memref<1x2048xi32, #tpu.memory_space<hbm>> -> memref<2048xi32, #tpu.memory_space<hbm>>
      %dma_start3A_52 = tpu.memref_slice %dma_start3A_51[%mul3A_2] : memref<2048xi32, #tpu.memory_space<hbm>> -> memref<64xi32, #tpu.memory_space<hbm>>
      tpu.enqueue_dma source(%dma_start3A_52 : memref<64xi32, #tpu.memory_space<hbm>>) target(%dma_start3A_48 : memref<64xi32, #tpu.memory_space<vmem>>) target_semaphore(%run_scoped3A_38 : memref<!tpu.dma_semaphore, #tpu.memory_space<semaphore_mem>>)
      %dma_wait3A_53 = arith.constant 0 : i32
      %dma_wait3A_54 = tpu.memref_slice %arg7[%run_scoped3A_3, %dma_wait3A_53] : memref<2x64xi32, #tpu.memory_space<vmem>> -> memref<1x64xi32, #tpu.memory_space<vmem>>
      %dma_wait3A_55 = tpu.memref_squeeze %dma_wait3A_54 : memref<1x64xi32, #tpu.memory_space<vmem>> -> memref<64xi32, #tpu.memory_space<vmem>>
      %dma_wait3A_56 = arith.constant 0 : i32
      %dma_wait3A_57 = tpu.memref_slice %arg3[%run_scoped3A, %dma_wait3A_56] : memref<2x2048xi32, #tpu.memory_space<hbm>> -> memref<1x2048xi32, #tpu.memory_space<hbm>>
      %dma_wait3A_58 = tpu.memref_squeeze %dma_wait3A_57 : memref<1x2048xi32, #tpu.memory_space<hbm>> -> memref<2048xi32, #tpu.memory_space<hbm>>
      %dma_wait3A_59 = tpu.memref_slice %dma_wait3A_58[%mul3A_2] : memref<2048xi32, #tpu.memory_space<hbm>> -> memref<64xi32, #tpu.memory_space<hbm>>
      %dma_wait3A_60 = arith.constant 0 : i32
      %dma_wait3A_61 = tpu.memref_slice %arg7[%run_scoped3A_3, %dma_wait3A_60] : memref<2x64xi32, #tpu.memory_space<vmem>> -> memref<1x64xi32, #tpu.memory_space<vmem>>
      %dma_wait3A_62 = tpu.memref_squeeze %dma_wait3A_61 : memref<1x64xi32, #tpu.memory_space<vmem>> -> memref<64xi32, #tpu.memory_space<vmem>>
      %dma_wait3A_63 = arith.constant 0 : i32
      %dma_wait3A_64 = tpu.memref_slice %arg3[%run_scoped3A, %dma_wait3A_63] : memref<2x2048xi32, #tpu.memory_space<hbm>> -> memref<1x2048xi32, #tpu.memory_space<hbm>>
      %dma_wait3A_65 = tpu.memref_squeeze %dma_wait3A_64 : memref<1x2048xi32, #tpu.memory_space<hbm>> -> memref<2048xi32, #tpu.memory_space<hbm>>
      %dma_wait3A_66 = tpu.memref_slice %dma_wait3A_65[%mul3A_2] : memref<2048xi32, #tpu.memory_space<hbm>> -> memref<64xi32, #tpu.memory_space<hbm>>
      tpu.wait_dma2 semaphore(%run_scoped3A_38 : memref<!tpu.dma_semaphore, #tpu.memory_space<semaphore_mem>>) src(%dma_wait3A_66 : memref<64xi32, #tpu.memory_space<hbm>>) dst(%dma_wait3A_62 : memref<64xi32, #tpu.memory_space<vmem>>)
      tpu.yield
    }) : () -> ()
    %mul3A_4 = arith.constant 64 : i32
    %mul3A_5 = arith.muli %add3A, %mul3A_4 : i32
    %run_scoped3A_6 = arith.constant 1 : i32
    %run_scoped3A_7 = arith.constant 1 : i32
    "tpu.region"() ({
      %run_scoped3A_38 = tpu.sem_alloc : memref<!tpu.dma_semaphore, #tpu.memory_space<semaphore_mem>>
      %dma_start3A_39 = arith.constant 0 : i32
      %dma_start3A_40 = tpu.memref_slice %arg7[%run_scoped3A_7, %dma_start3A_39] : memref<2x64xi32, #tpu.memory_space<vmem>> -> memref<1x64xi32, #tpu.memory_space<vmem>>
      %dma_start3A_41 = tpu.memref_squeeze %dma_start3A_40 : memref<1x64xi32, #tpu.memory_space<vmem>> -> memref<64xi32, #tpu.memory_space<vmem>>
      %dma_start3A_42 = arith.constant 0 : i32
      %dma_start3A_43 = tpu.memref_slice %arg3[%run_scoped3A_6, %dma_start3A_42] : memref<2x2048xi32, #tpu.memory_space<hbm>> -> memref<1x2048xi32, #tpu.memory_space<hbm>>
      %dma_start3A_44 = tpu.memref_squeeze %dma_start3A_43 : memref<1x2048xi32, #tpu.memory_space<hbm>> -> memref<2048xi32, #tpu.memory_space<hbm>>
      %dma_start3A_45 = tpu.memref_slice %dma_start3A_44[%mul3A_5] : memref<2048xi32, #tpu.memory_space<hbm>> -> memref<64xi32, #tpu.memory_space<hbm>>
      %dma_start3A_46 = arith.constant 0 : i32
      %dma_start3A_47 = tpu.memref_slice %arg7[%run_scoped3A_7, %dma_start3A_46] : memref<2x64xi32, #tpu.memory_space<vmem>> -> memref<1x64xi32, #tpu.memory_space<vmem>>
      %dma_start3A_48 = tpu.memref_squeeze %dma_start3A_47 : memref<1x64xi32, #tpu.memory_space<vmem>> -> memref<64xi32, #tpu.memory_space<vmem>>
      %dma_start3A_49 = arith.constant 0 : i32
      %dma_start3A_50 = tpu.memref_slice %arg3[%run_scoped3A_6, %dma_start3A_49] : memref<2x2048xi32, #tpu.memory_space<hbm>> -> memref<1x2048xi32, #tpu.memory_space<hbm>>
      %dma_start3A_51 = tpu.memref_squeeze %dma_start3A_50 : memref<1x2048xi32, #tpu.memory_space<hbm>> -> memref<2048xi32, #tpu.memory_space<hbm>>
      %dma_start3A_52 = tpu.memref_slice %dma_start3A_51[%mul3A_5] : memref<2048xi32, #tpu.memory_space<hbm>> -> memref<64xi32, #tpu.memory_space<hbm>>
      tpu.enqueue_dma source(%dma_start3A_52 : memref<64xi32, #tpu.memory_space<hbm>>) target(%dma_start3A_48 : memref<64xi32, #tpu.memory_space<vmem>>) target_semaphore(%run_scoped3A_38 : memref<!tpu.dma_semaphore, #tpu.memory_space<semaphore_mem>>)
      %dma_wait3A_53 = arith.constant 0 : i32
      %dma_wait3A_54 = tpu.memref_slice %arg7[%run_scoped3A_7, %dma_wait3A_53] : memref<2x64xi32, #tpu.memory_space<vmem>> -> memref<1x64xi32, #tpu.memory_space<vmem>>
      %dma_wait3A_55 = tpu.memref_squeeze %dma_wait3A_54 : memref<1x64xi32, #tpu.memory_space<vmem>> -> memref<64xi32, #tpu.memory_space<vmem>>
      %dma_wait3A_56 = arith.constant 0 : i32
      %dma_wait3A_57 = tpu.memref_slice %arg3[%run_scoped3A_6, %dma_wait3A_56] : memref<2x2048xi32, #tpu.memory_space<hbm>> -> memref<1x2048xi32, #tpu.memory_space<hbm>>
      %dma_wait3A_58 = tpu.memref_squeeze %dma_wait3A_57 : memref<1x2048xi32, #tpu.memory_space<hbm>> -> memref<2048xi32, #tpu.memory_space<hbm>>
      %dma_wait3A_59 = tpu.memref_slice %dma_wait3A_58[%mul3A_5] : memref<2048xi32, #tpu.memory_space<hbm>> -> memref<64xi32, #tpu.memory_space<hbm>>
      %dma_wait3A_60 = arith.constant 0 : i32
      %dma_wait3A_61 = tpu.memref_slice %arg7[%run_scoped3A_7, %dma_wait3A_60] : memref<2x64xi32, #tpu.memory_space<vmem>> -> memref<1x64xi32, #tpu.memory_space<vmem>>
      %dma_wait3A_62 = tpu.memref_squeeze %dma_wait3A_61 : memref<1x64xi32, #tpu.memory_space<vmem>> -> memref<64xi32, #tpu.memory_space<vmem>>
      %dma_wait3A_63 = arith.constant 0 : i32
      %dma_wait3A_64 = tpu.memref_slice %arg3[%run_scoped3A_6, %dma_wait3A_63] : memref<2x2048xi32, #tpu.memory_space<hbm>> -> memref<1x2048xi32, #tpu.memory_space<hbm>>
      %dma_wait3A_65 = tpu.memref_squeeze %dma_wait3A_64 : memref<1x2048xi32, #tpu.memory_space<hbm>> -> memref<2048xi32, #tpu.memory_space<hbm>>
      %dma_wait3A_66 = tpu.memref_slice %dma_wait3A_65[%mul3A_5] : memref<2048xi32, #tpu.memory_space<hbm>> -> memref<64xi32, #tpu.memory_space<hbm>>
      tpu.wait_dma2 semaphore(%run_scoped3A_38 : memref<!tpu.dma_semaphore, #tpu.memory_space<semaphore_mem>>) src(%dma_wait3A_66 : memref<64xi32, #tpu.memory_space<hbm>>) dst(%dma_wait3A_62 : memref<64xi32, #tpu.memory_space<vmem>>)
      tpu.yield
    }) : () -> ()
    %dma_start3A = arith.constant 0 : i32
    %dma_start3A_8 = arith.constant 0 : i32
    %dma_start3A_9 = tpu.memref_slice %arg7[%dma_start3A, %dma_start3A_8] : memref<2x64xi32, #tpu.memory_space<vmem>> -> memref<1x64xi32, #tpu.memory_space<vmem>>
    %dma_start3A_10 = tpu.memref_squeeze %dma_start3A_9 : memref<1x64xi32, #tpu.memory_space<vmem>> -> memref<64xi32, #tpu.memory_space<vmem>>
    %dma_start3A_11 = arith.constant 0 : i32
    %dma_start3A_12 = arith.constant 0 : i32
    %dma_start3A_13 = tpu.memref_slice %arg2[%dma_start3A_11, %dma_start3A_12] : memref<5632x1024xf32, #tpu.memory_space<hbm>> -> memref<5632x1024xf32, #tpu.memory_space<hbm>>
    tpu.enqueue_indirect_dma source(%dma_start3A_13 : memref<5632x1024xf32, #tpu.memory_space<hbm>>) target(%arg6 : memref<64x1024xf32, #tpu.memory_space<vmem>>) offsets(%dma_start3A_10 : memref<64xi32, #tpu.memory_space<vmem>>) semaphore(%arg8 : memref<!tpu.dma_semaphore, #tpu.memory_space<semaphore_mem>>)
    %dma_wait3A = arith.constant 0 : i32
    %dma_wait3A_14 = arith.constant 0 : i32
    %dma_wait3A_15 = tpu.memref_slice %arg7[%dma_wait3A, %dma_wait3A_14] : memref<2x64xi32, #tpu.memory_space<vmem>> -> memref<1x64xi32, #tpu.memory_space<vmem>>
    %dma_wait3A_16 = tpu.memref_squeeze %dma_wait3A_15 : memref<1x64xi32, #tpu.memory_space<vmem>> -> memref<64xi32, #tpu.memory_space<vmem>>
    %dma_wait3A_17 = arith.constant 0 : i32
    %dma_wait3A_18 = arith.constant 0 : i32
    %dma_wait3A_19 = tpu.memref_slice %arg2[%dma_wait3A_17, %dma_wait3A_18] : memref<5632x1024xf32, #tpu.memory_space<hbm>> -> memref<5632x1024xf32, #tpu.memory_space<hbm>>
    tpu.wait_indirect_dma semaphore(%arg8 : memref<!tpu.dma_semaphore, #tpu.memory_space<semaphore_mem>>) src(%dma_wait3A_19 : memref<5632x1024xf32, #tpu.memory_space<hbm>>) dst(%arg6 : memref<64x1024xf32, #tpu.memory_space<vmem>>)
    %mul3A_20 = arith.constant 64 : i32
    %mul3A_21 = arith.muli %add3A, %mul3A_20 : i32
    "tpu.region"() ({
      %run_scoped3A_38 = tpu.sem_alloc : memref<!tpu.dma_semaphore, #tpu.memory_space<semaphore_mem>>
      %dma_start3A_39 = arith.constant 0 : i32
      %dma_start3A_40 = tpu.memref_slice %arg4[%mul3A_21, %dma_start3A_39] : memref<2048x1024xf32, #tpu.memory_space<hbm>> -> memref<64x1024xf32, #tpu.memory_space<hbm>>
      %dma_start3A_41 = arith.constant 0 : i32
      %dma_start3A_42 = tpu.memref_slice %arg4[%mul3A_21, %dma_start3A_41] : memref<2048x1024xf32, #tpu.memory_space<hbm>> -> memref<64x1024xf32, #tpu.memory_space<hbm>>
      tpu.enqueue_dma source(%arg6 : memref<64x1024xf32, #tpu.memory_space<vmem>>) target(%dma_start3A_42 : memref<64x1024xf32, #tpu.memory_space<hbm>>) target_semaphore(%run_scoped3A_38 : memref<!tpu.dma_semaphore, #tpu.memory_space<semaphore_mem>>)
      %dma_wait3A_43 = arith.constant 0 : i32
      %dma_wait3A_44 = tpu.memref_slice %arg4[%mul3A_21, %dma_wait3A_43] : memref<2048x1024xf32, #tpu.memory_space<hbm>> -> memref<64x1024xf32, #tpu.memory_space<hbm>>
      %dma_wait3A_45 = arith.constant 0 : i32
      %dma_wait3A_46 = tpu.memref_slice %arg4[%mul3A_21, %dma_wait3A_45] : memref<2048x1024xf32, #tpu.memory_space<hbm>> -> memref<64x1024xf32, #tpu.memory_space<hbm>>
      tpu.wait_dma2 semaphore(%run_scoped3A_38 : memref<!tpu.dma_semaphore, #tpu.memory_space<semaphore_mem>>) src(%arg6 : memref<64x1024xf32, #tpu.memory_space<vmem>>) dst(%dma_wait3A_46 : memref<64x1024xf32, #tpu.memory_space<hbm>>)
      tpu.yield
    }) : () -> ()
    %dma_start3A_22 = arith.constant 1 : i32
    %dma_start3A_23 = arith.constant 0 : i32
    %dma_start3A_24 = tpu.memref_slice %arg7[%dma_start3A_22, %dma_start3A_23] : memref<2x64xi32, #tpu.memory_space<vmem>> -> memref<1x64xi32, #tpu.memory_space<vmem>>
    %dma_start3A_25 = tpu.memref_squeeze %dma_start3A_24 : memref<1x64xi32, #tpu.memory_space<vmem>> -> memref<64xi32, #tpu.memory_space<vmem>>
    %dma_start3A_26 = arith.constant 0 : i32
    %dma_start3A_27 = arith.constant 0 : i32
    %dma_start3A_28 = tpu.memref_slice %arg2[%dma_start3A_26, %dma_start3A_27] : memref<5632x1024xf32, #tpu.memory_space<hbm>> -> memref<5632x1024xf32, #tpu.memory_space<hbm>>
    tpu.enqueue_indirect_dma source(%dma_start3A_28 : memref<5632x1024xf32, #tpu.memory_space<hbm>>) target(%arg6 : memref<64x1024xf32, #tpu.memory_space<vmem>>) offsets(%dma_start3A_25 : memref<64xi32, #tpu.memory_space<vmem>>) semaphore(%arg8 : memref<!tpu.dma_semaphore, #tpu.memory_space<semaphore_mem>>)
    %dma_wait3A_29 = arith.constant 1 : i32
    %dma_wait3A_30 = arith.constant 0 : i32
    %dma_wait3A_31 = tpu.memref_slice %arg7[%dma_wait3A_29, %dma_wait3A_30] : memref<2x64xi32, #tpu.memory_space<vmem>> -> memref<1x64xi32, #tpu.memory_space<vmem>>
    %dma_wait3A_32 = tpu.memref_squeeze %dma_wait3A_31 : memref<1x64xi32, #tpu.memory_space<vmem>> -> memref<64xi32, #tpu.memory_space<vmem>>
    %dma_wait3A_33 = arith.constant 0 : i32
    %dma_wait3A_34 = arith.constant 0 : i32
    %dma_wait3A_35 = tpu.memref_slice %arg2[%dma_wait3A_33, %dma_wait3A_34] : memref<5632x1024xf32, #tpu.memory_space<hbm>> -> memref<5632x1024xf32, #tpu.memory_space<hbm>>
    tpu.wait_indirect_dma semaphore(%arg8 : memref<!tpu.dma_semaphore, #tpu.memory_space<semaphore_mem>>) src(%dma_wait3A_35 : memref<5632x1024xf32, #tpu.memory_space<hbm>>) dst(%arg6 : memref<64x1024xf32, #tpu.memory_space<vmem>>)
    %mul3A_36 = arith.constant 64 : i32
    %mul3A_37 = arith.muli %add3A, %mul3A_36 : i32
    "tpu.region"() ({
      %run_scoped3A_38 = tpu.sem_alloc : memref<!tpu.dma_semaphore, #tpu.memory_space<semaphore_mem>>
      %dma_start3A_39 = arith.constant 0 : i32
      %dma_start3A_40 = tpu.memref_slice %arg5[%mul3A_37, %dma_start3A_39] : memref<2048x1024xf32, #tpu.memory_space<hbm>> -> memref<64x1024xf32, #tpu.memory_space<hbm>>
      %dma_start3A_41 = arith.constant 0 : i32
      %dma_start3A_42 = tpu.memref_slice %arg5[%mul3A_37, %dma_start3A_41] : memref<2048x1024xf32, #tpu.memory_space<hbm>> -> memref<64x1024xf32, #tpu.memory_space<hbm>>
      tpu.enqueue_dma source(%arg6 : memref<64x1024xf32, #tpu.memory_space<vmem>>) target(%dma_start3A_42 : memref<64x1024xf32, #tpu.memory_space<hbm>>) target_semaphore(%run_scoped3A_38 : memref<!tpu.dma_semaphore, #tpu.memory_space<semaphore_mem>>)
      %dma_wait3A_43 = arith.constant 0 : i32
      %dma_wait3A_44 = tpu.memref_slice %arg5[%mul3A_37, %dma_wait3A_43] : memref<2048x1024xf32, #tpu.memory_space<hbm>> -> memref<64x1024xf32, #tpu.memory_space<hbm>>
      %dma_wait3A_45 = arith.constant 0 : i32
      %dma_wait3A_46 = tpu.memref_slice %arg5[%mul3A_37, %dma_wait3A_45] : memref<2048x1024xf32, #tpu.memory_space<hbm>> -> memref<64x1024xf32, #tpu.memory_space<hbm>>
      tpu.wait_dma2 semaphore(%run_scoped3A_38 : memref<!tpu.dma_semaphore, #tpu.memory_space<semaphore_mem>>) src(%arg6 : memref<64x1024xf32, #tpu.memory_space<vmem>>) dst(%dma_wait3A_46 : memref<64x1024xf32, #tpu.memory_space<hbm>>)
      tpu.yield
    }) : () -> ()
    return
  }
}

module {
  func.func @main(%arg0: i32, %arg1: i32, %arg2: i32, %arg3: memref<1x1024x1024xf32, #tpu.memory_space<vmem>>, %arg4: memref<1x1024x128xf32, #tpu.memory_space<vmem>>, %arg5: memref<1x1024x128xf32, #tpu.memory_space<vmem>>, %arg6: memref<1x1024x1xf32, #tpu.memory_space<vmem>>, %arg7: memref<1x1024x1xf32, #tpu.memory_space<vmem>>) attributes {dimension_semantics = [#tpu.dimension_semantics<parallel>, #tpu.dimension_semantics<parallel>, #tpu.dimension_semantics<arbitrary>], iteration_bounds = array<i64: 16, 2, 2>, scratch_operands = 2 : i64, window_params = [{transform_indices = @qk_fn, window_bounds = array<i64: 1, 1024, 1024>}, {transform_indices = @v_fn, window_bounds = array<i64: 1, 1024, 128>}, {transform_indices = @oi_fn, window_bounds = array<i64: 1, 1024, 128>}]} {
    %c0 = arith.constant 0 : index
    %c0_i32 = arith.constant 0 : i32
    %0 = arith.cmpi eq, %c0_i32, %arg2 : i32
    scf.if %0 {
      %cst_3 = arith.constant dense<0.000000e+00> : vector<1x1024x128xf32>
      vector.store %cst_3, %arg5[%c0, %c0, %c0] : memref<1x1024x128xf32, #tpu.memory_space<vmem>>, vector<1x1024x128xf32>
      %cst_4 = arith.constant dense<0xFF800000> : vector<1x1024x1xf32>
      vector.store %cst_4, %arg6[%c0, %c0, %c0] : memref<1x1024x1xf32, #tpu.memory_space<vmem>>, vector<1x1024x1xf32>
      %cst_5 = arith.constant dense<0.000000e+00> : vector<1x1024x1xf32>
      vector.store %cst_5, %arg7[%c0, %c0, %c0] : memref<1x1024x1xf32, #tpu.memory_space<vmem>>, vector<1x1024x1xf32>
    }
    %1 = vector.load %arg3[%c0, %c0, %c0] : memref<1x1024x1024xf32, #tpu.memory_space<vmem>>, vector<1x1024x1024xf32>
    %cst = arith.constant dense<0xFF800000> : vector<1x1024xf32>
    %2 = vector.multi_reduction <maximumf>, %1, %cst [2] : vector<1x1024x1024xf32> to vector<1x1024xf32>
    %3 = vector.shape_cast %2 : vector<1x1024xf32> to vector<1x1024x1xf32>
    %4 = vector.load %arg6[%c0, %c0, %c0] : memref<1x1024x1xf32, #tpu.memory_space<vmem>>, vector<1x1024x1xf32>
    %5 = arith.maximumf %4, %3 : vector<1x1024x1xf32>
    %cst_0 = arith.constant dense<0.000000e+00> : vector<1x1024x1xf32>
    %6 = arith.cmpf oeq, %4, %5 : vector<1x1024x1xf32>
    %7 = arith.subf %4, %5 : vector<1x1024x1xf32>
    %8 = arith.select %6, %cst_0, %7 : vector<1x1024x1xi1>, vector<1x1024x1xf32>
    %9 = vector.broadcast %5 : vector<1x1024x1xf32> to vector<1x1024x1024xf32>
    %10 = arith.subf %1, %9 : vector<1x1024x1024xf32>
    %11 = math.exp %10 : vector<1x1024x1024xf32>
    %cst_1 = arith.constant dense<0.000000e+00> : vector<1x1024xf32>
    %12 = vector.multi_reduction <add>, %11, %cst_1 [2] : vector<1x1024x1024xf32> to vector<1x1024xf32>
    %13 = vector.shape_cast %12 : vector<1x1024xf32> to vector<1x1024x1xf32>
    %14 = vector.load %arg7[%c0, %c0, %c0] : memref<1x1024x1xf32, #tpu.memory_space<vmem>>, vector<1x1024x1xf32>
    %15 = math.exp %8 : vector<1x1024x1xf32>
    %16 = arith.mulf %15, %14 : vector<1x1024x1xf32>
    %17 = arith.addf %16, %13 : vector<1x1024x1xf32>
    %18 = vector.load %arg5[%c0, %c0, %c0] : memref<1x1024x128xf32, #tpu.memory_space<vmem>>, vector<1x1024x128xf32>
    %19 = math.exp %8 : vector<1x1024x1xf32>
    %20 = arith.mulf %19, %14 : vector<1x1024x1xf32>
    %21 = vector.broadcast %20 : vector<1x1024x1xf32> to vector<1x1024x128xf32>
    %22 = arith.mulf %21, %18 : vector<1x1024x128xf32>
    %23 = vector.load %arg4[%c0, %c0, %c0] : memref<1x1024x128xf32, #tpu.memory_space<vmem>>, vector<1x1024x128xf32>
    %24 = vector.shape_cast %23 : vector<1x1024x128xf32> to vector<1024x128xf32>
    %25 = vector.shape_cast %11 : vector<1x1024x1024xf32> to vector<1024x1024xf32>
    %26 = vector.shape_cast %22 : vector<1x1024x128xf32> to vector<1024x128xf32>
    %27 = tpu.matmul %25, %24, %26 {dimension_numbers = #tpu.dot_dimension_numbers<[1], [0], [0], [1], [0, 0, 1, 1], [], []>, precision = #tpu.contract_precision<bf16>, transpose_lhs_hint = false} : vector<1024x1024xf32>, vector<1024x128xf32>, vector<1024x128xf32> -> vector<1024x128xf32>
    %28 = vector.shape_cast %27 : vector<1024x128xf32> to vector<1x1024x128xf32>
    %cst_2 = arith.constant dense<1.000000e+00> : vector<1x1024x1xf32>
    %29 = arith.divf %cst_2, %17 : vector<1x1024x1xf32>
    %30 = vector.broadcast %29 : vector<1x1024x1xf32> to vector<1x1024x128xf32>
    %31 = arith.mulf %28, %30 : vector<1x1024x128xf32>
    %32 = vector.shape_cast %31 : vector<1x1024x128xf32> to vector<1x1024x128xf32>
    vector.store %32, %arg5[%c0, %c0, %c0] : memref<1x1024x128xf32, #tpu.memory_space<vmem>>, vector<1x1024x128xf32>
    vector.store %5, %arg6[%c0, %c0, %c0] : memref<1x1024x1xf32, #tpu.memory_space<vmem>>, vector<1x1024x1xf32>
    vector.store %17, %arg7[%c0, %c0, %c0] : memref<1x1024x1xf32, #tpu.memory_space<vmem>>, vector<1x1024x1xf32>
    return
  }
  func.func @qk_fn(%arg0: i32, %arg1: i32, %arg2: i32) -> (i32, i32, i32) {
    return %arg0, %arg1, %arg2 : i32, i32, i32
  }
  func.func @v_fn(%arg0: i32, %arg1: i32, %arg2: i32) -> (i32, i32, i32) {
    %c0_i32 = arith.constant 0 : i32
    return %arg0, %arg2, %c0_i32 : i32, i32, i32
  }
  func.func @oi_fn(%arg0: i32, %arg1: i32, %arg2: i32) -> (i32, i32, i32) {
    %c0_i32 = arith.constant 0 : i32
    return %arg0, %arg1, %c0_i32 : i32, i32, i32
  }
}

module attributes {stable_mosaic.version = 14 : i64} {
  func.func @_route_body(%arg0: memref<4096x1xi32, #tpu.memory_space<vmem>>, %arg1: memref<4096x1xi32, #tpu.memory_space<vmem>>, %arg2: memref<128x1xi32, #tpu.memory_space<vmem>>) attributes {dimension_semantics = [], scalar_prefetch = 0 : i64, scratch_operands = 0 : i64, tpu.core_type = #tpu.core_type<tc>} {
    %iota3A = tpu.iota {dimensions = array<i32: 1>} : vector<256x128xi32>
    %iota3A_0 = tpu.iota {dimensions = array<i32: 0>} : vector<256x256xi32>
    %iota3A_1 = tpu.iota {dimensions = array<i32: 1>} : vector<256x256xi32>
    %gt3A = arith.cmpi sgt, %iota3A_0, %iota3A_1 : vector<256x256xi32>
    %convert_element_type3A = arith.extui %gt3A : vector<256x256xi1> to vector<256x256xi32>
    %convert_element_type3A_2 = arith.sitofp %convert_element_type3A : vector<256x256xi32> to vector<256x256xf32>
    %broadcast_in_dim3A = arith.constant 0.000000e+00 : f32
    %broadcast_in_dim3A_3 = vector.broadcast %broadcast_in_dim3A : f32 to vector<1x128xf32>
    %get3A = arith.constant 0 : index
    %get3A_4 = arith.constant 0 : index
    %get3A_5 = vector.load %arg0[%get3A, %get3A_4] : memref<4096x1xi32, #tpu.memory_space<vmem>>, vector<256x1xi32>
    %eq3A = vector.broadcast %get3A_5 : vector<256x1xi32> to vector<256x128xi32>
    %eq3A_6 = arith.cmpi eq, %eq3A, %iota3A : vector<256x128xi32>
    %convert_element_type3A_7 = arith.extui %eq3A_6 : vector<256x128xi1> to vector<256x128xi32>
    %convert_element_type3A_8 = arith.sitofp %convert_element_type3A_7 : vector<256x128xi32> to vector<256x128xf32>
    %reduce_sum3A = arith.constant dense<0.000000e+00> : vector<128xf32>
    %reduce_sum3A_9 = vector.multi_reduction <add>, %convert_element_type3A_8, %reduce_sum3A [0] : vector<256x128xf32> to vector<128xf32>
    %broadcast_in_dim3A_10 = vector.shape_cast %reduce_sum3A_9 : vector<128xf32> to vector<1x128xf32>
    %add3A = arith.addf %broadcast_in_dim3A_3, %broadcast_in_dim3A_10 : vector<1x128xf32>
    %get3A_11 = arith.constant 256 : index
    %get3A_12 = arith.constant 0 : index
    %get3A_13 = vector.load %arg0[%get3A_11, %get3A_12] : memref<4096x1xi32, #tpu.memory_space<vmem>>, vector<256x1xi32>
    %eq3A_14 = vector.broadcast %get3A_13 : vector<256x1xi32> to vector<256x128xi32>
    %eq3A_15 = arith.cmpi eq, %eq3A_14, %iota3A : vector<256x128xi32>
    %convert_element_type3A_16 = arith.extui %eq3A_15 : vector<256x128xi1> to vector<256x128xi32>
    %convert_element_type3A_17 = arith.sitofp %convert_element_type3A_16 : vector<256x128xi32> to vector<256x128xf32>
    %reduce_sum3A_18 = arith.constant dense<0.000000e+00> : vector<128xf32>
    %reduce_sum3A_19 = vector.multi_reduction <add>, %convert_element_type3A_17, %reduce_sum3A_18 [0] : vector<256x128xf32> to vector<128xf32>
    %broadcast_in_dim3A_20 = vector.shape_cast %reduce_sum3A_19 : vector<128xf32> to vector<1x128xf32>
    %add3A_21 = arith.addf %add3A, %broadcast_in_dim3A_20 : vector<1x128xf32>
    %get3A_22 = arith.constant 512 : index
    %get3A_23 = arith.constant 0 : index
    %get3A_24 = vector.load %arg0[%get3A_22, %get3A_23] : memref<4096x1xi32, #tpu.memory_space<vmem>>, vector<256x1xi32>
    %eq3A_25 = vector.broadcast %get3A_24 : vector<256x1xi32> to vector<256x128xi32>
    %eq3A_26 = arith.cmpi eq, %eq3A_25, %iota3A : vector<256x128xi32>
    %convert_element_type3A_27 = arith.extui %eq3A_26 : vector<256x128xi1> to vector<256x128xi32>
    %convert_element_type3A_28 = arith.sitofp %convert_element_type3A_27 : vector<256x128xi32> to vector<256x128xf32>
    %reduce_sum3A_29 = arith.constant dense<0.000000e+00> : vector<128xf32>
    %reduce_sum3A_30 = vector.multi_reduction <add>, %convert_element_type3A_28, %reduce_sum3A_29 [0] : vector<256x128xf32> to vector<128xf32>
    %broadcast_in_dim3A_31 = vector.shape_cast %reduce_sum3A_30 : vector<128xf32> to vector<1x128xf32>
    %add3A_32 = arith.addf %add3A_21, %broadcast_in_dim3A_31 : vector<1x128xf32>
    %get3A_33 = arith.constant 768 : index
    %get3A_34 = arith.constant 0 : index
    %get3A_35 = vector.load %arg0[%get3A_33, %get3A_34] : memref<4096x1xi32, #tpu.memory_space<vmem>>, vector<256x1xi32>
    %eq3A_36 = vector.broadcast %get3A_35 : vector<256x1xi32> to vector<256x128xi32>
    %eq3A_37 = arith.cmpi eq, %eq3A_36, %iota3A : vector<256x128xi32>
    %convert_element_type3A_38 = arith.extui %eq3A_37 : vector<256x128xi1> to vector<256x128xi32>
    %convert_element_type3A_39 = arith.sitofp %convert_element_type3A_38 : vector<256x128xi32> to vector<256x128xf32>
    %reduce_sum3A_40 = arith.constant dense<0.000000e+00> : vector<128xf32>
    %reduce_sum3A_41 = vector.multi_reduction <add>, %convert_element_type3A_39, %reduce_sum3A_40 [0] : vector<256x128xf32> to vector<128xf32>
    %broadcast_in_dim3A_42 = vector.shape_cast %reduce_sum3A_41 : vector<128xf32> to vector<1x128xf32>
    %add3A_43 = arith.addf %add3A_32, %broadcast_in_dim3A_42 : vector<1x128xf32>
    %get3A_44 = arith.constant 1024 : index
    %get3A_45 = arith.constant 0 : index
    %get3A_46 = vector.load %arg0[%get3A_44, %get3A_45] : memref<4096x1xi32, #tpu.memory_space<vmem>>, vector<256x1xi32>
    %eq3A_47 = vector.broadcast %get3A_46 : vector<256x1xi32> to vector<256x128xi32>
    %eq3A_48 = arith.cmpi eq, %eq3A_47, %iota3A : vector<256x128xi32>
    %convert_element_type3A_49 = arith.extui %eq3A_48 : vector<256x128xi1> to vector<256x128xi32>
    %convert_element_type3A_50 = arith.sitofp %convert_element_type3A_49 : vector<256x128xi32> to vector<256x128xf32>
    %reduce_sum3A_51 = arith.constant dense<0.000000e+00> : vector<128xf32>
    %reduce_sum3A_52 = vector.multi_reduction <add>, %convert_element_type3A_50, %reduce_sum3A_51 [0] : vector<256x128xf32> to vector<128xf32>
    %broadcast_in_dim3A_53 = vector.shape_cast %reduce_sum3A_52 : vector<128xf32> to vector<1x128xf32>
    %add3A_54 = arith.addf %add3A_43, %broadcast_in_dim3A_53 : vector<1x128xf32>
    %get3A_55 = arith.constant 1280 : index
    %get3A_56 = arith.constant 0 : index
    %get3A_57 = vector.load %arg0[%get3A_55, %get3A_56] : memref<4096x1xi32, #tpu.memory_space<vmem>>, vector<256x1xi32>
    %eq3A_58 = vector.broadcast %get3A_57 : vector<256x1xi32> to vector<256x128xi32>
    %eq3A_59 = arith.cmpi eq, %eq3A_58, %iota3A : vector<256x128xi32>
    %convert_element_type3A_60 = arith.extui %eq3A_59 : vector<256x128xi1> to vector<256x128xi32>
    %convert_element_type3A_61 = arith.sitofp %convert_element_type3A_60 : vector<256x128xi32> to vector<256x128xf32>
    %reduce_sum3A_62 = arith.constant dense<0.000000e+00> : vector<128xf32>
    %reduce_sum3A_63 = vector.multi_reduction <add>, %convert_element_type3A_61, %reduce_sum3A_62 [0] : vector<256x128xf32> to vector<128xf32>
    %broadcast_in_dim3A_64 = vector.shape_cast %reduce_sum3A_63 : vector<128xf32> to vector<1x128xf32>
    %add3A_65 = arith.addf %add3A_54, %broadcast_in_dim3A_64 : vector<1x128xf32>
    %get3A_66 = arith.constant 1536 : index
    %get3A_67 = arith.constant 0 : index
    %get3A_68 = vector.load %arg0[%get3A_66, %get3A_67] : memref<4096x1xi32, #tpu.memory_space<vmem>>, vector<256x1xi32>
    %eq3A_69 = vector.broadcast %get3A_68 : vector<256x1xi32> to vector<256x128xi32>
    %eq3A_70 = arith.cmpi eq, %eq3A_69, %iota3A : vector<256x128xi32>
    %convert_element_type3A_71 = arith.extui %eq3A_70 : vector<256x128xi1> to vector<256x128xi32>
    %convert_element_type3A_72 = arith.sitofp %convert_element_type3A_71 : vector<256x128xi32> to vector<256x128xf32>
    %reduce_sum3A_73 = arith.constant dense<0.000000e+00> : vector<128xf32>
    %reduce_sum3A_74 = vector.multi_reduction <add>, %convert_element_type3A_72, %reduce_sum3A_73 [0] : vector<256x128xf32> to vector<128xf32>
    %broadcast_in_dim3A_75 = vector.shape_cast %reduce_sum3A_74 : vector<128xf32> to vector<1x128xf32>
    %add3A_76 = arith.addf %add3A_65, %broadcast_in_dim3A_75 : vector<1x128xf32>
    %get3A_77 = arith.constant 1792 : index
    %get3A_78 = arith.constant 0 : index
    %get3A_79 = vector.load %arg0[%get3A_77, %get3A_78] : memref<4096x1xi32, #tpu.memory_space<vmem>>, vector<256x1xi32>
    %eq3A_80 = vector.broadcast %get3A_79 : vector<256x1xi32> to vector<256x128xi32>
    %eq3A_81 = arith.cmpi eq, %eq3A_80, %iota3A : vector<256x128xi32>
    %convert_element_type3A_82 = arith.extui %eq3A_81 : vector<256x128xi1> to vector<256x128xi32>
    %convert_element_type3A_83 = arith.sitofp %convert_element_type3A_82 : vector<256x128xi32> to vector<256x128xf32>
    %reduce_sum3A_84 = arith.constant dense<0.000000e+00> : vector<128xf32>
    %reduce_sum3A_85 = vector.multi_reduction <add>, %convert_element_type3A_83, %reduce_sum3A_84 [0] : vector<256x128xf32> to vector<128xf32>
    %broadcast_in_dim3A_86 = vector.shape_cast %reduce_sum3A_85 : vector<128xf32> to vector<1x128xf32>
    %add3A_87 = arith.addf %add3A_76, %broadcast_in_dim3A_86 : vector<1x128xf32>
    %get3A_88 = arith.constant 2048 : index
    %get3A_89 = arith.constant 0 : index
    %get3A_90 = vector.load %arg0[%get3A_88, %get3A_89] : memref<4096x1xi32, #tpu.memory_space<vmem>>, vector<256x1xi32>
    %eq3A_91 = vector.broadcast %get3A_90 : vector<256x1xi32> to vector<256x128xi32>
    %eq3A_92 = arith.cmpi eq, %eq3A_91, %iota3A : vector<256x128xi32>
    %convert_element_type3A_93 = arith.extui %eq3A_92 : vector<256x128xi1> to vector<256x128xi32>
    %convert_element_type3A_94 = arith.sitofp %convert_element_type3A_93 : vector<256x128xi32> to vector<256x128xf32>
    %reduce_sum3A_95 = arith.constant dense<0.000000e+00> : vector<128xf32>
    %reduce_sum3A_96 = vector.multi_reduction <add>, %convert_element_type3A_94, %reduce_sum3A_95 [0] : vector<256x128xf32> to vector<128xf32>
    %broadcast_in_dim3A_97 = vector.shape_cast %reduce_sum3A_96 : vector<128xf32> to vector<1x128xf32>
    %add3A_98 = arith.addf %add3A_87, %broadcast_in_dim3A_97 : vector<1x128xf32>
    %get3A_99 = arith.constant 2304 : index
    %get3A_100 = arith.constant 0 : index
    %get3A_101 = vector.load %arg0[%get3A_99, %get3A_100] : memref<4096x1xi32, #tpu.memory_space<vmem>>, vector<256x1xi32>
    %eq3A_102 = vector.broadcast %get3A_101 : vector<256x1xi32> to vector<256x128xi32>
    %eq3A_103 = arith.cmpi eq, %eq3A_102, %iota3A : vector<256x128xi32>
    %convert_element_type3A_104 = arith.extui %eq3A_103 : vector<256x128xi1> to vector<256x128xi32>
    %convert_element_type3A_105 = arith.sitofp %convert_element_type3A_104 : vector<256x128xi32> to vector<256x128xf32>
    %reduce_sum3A_106 = arith.constant dense<0.000000e+00> : vector<128xf32>
    %reduce_sum3A_107 = vector.multi_reduction <add>, %convert_element_type3A_105, %reduce_sum3A_106 [0] : vector<256x128xf32> to vector<128xf32>
    %broadcast_in_dim3A_108 = vector.shape_cast %reduce_sum3A_107 : vector<128xf32> to vector<1x128xf32>
    %add3A_109 = arith.addf %add3A_98, %broadcast_in_dim3A_108 : vector<1x128xf32>
    %get3A_110 = arith.constant 2560 : index
    %get3A_111 = arith.constant 0 : index
    %get3A_112 = vector.load %arg0[%get3A_110, %get3A_111] : memref<4096x1xi32, #tpu.memory_space<vmem>>, vector<256x1xi32>
    %eq3A_113 = vector.broadcast %get3A_112 : vector<256x1xi32> to vector<256x128xi32>
    %eq3A_114 = arith.cmpi eq, %eq3A_113, %iota3A : vector<256x128xi32>
    %convert_element_type3A_115 = arith.extui %eq3A_114 : vector<256x128xi1> to vector<256x128xi32>
    %convert_element_type3A_116 = arith.sitofp %convert_element_type3A_115 : vector<256x128xi32> to vector<256x128xf32>
    %reduce_sum3A_117 = arith.constant dense<0.000000e+00> : vector<128xf32>
    %reduce_sum3A_118 = vector.multi_reduction <add>, %convert_element_type3A_116, %reduce_sum3A_117 [0] : vector<256x128xf32> to vector<128xf32>
    %broadcast_in_dim3A_119 = vector.shape_cast %reduce_sum3A_118 : vector<128xf32> to vector<1x128xf32>
    %add3A_120 = arith.addf %add3A_109, %broadcast_in_dim3A_119 : vector<1x128xf32>
    %get3A_121 = arith.constant 2816 : index
    %get3A_122 = arith.constant 0 : index
    %get3A_123 = vector.load %arg0[%get3A_121, %get3A_122] : memref<4096x1xi32, #tpu.memory_space<vmem>>, vector<256x1xi32>
    %eq3A_124 = vector.broadcast %get3A_123 : vector<256x1xi32> to vector<256x128xi32>
    %eq3A_125 = arith.cmpi eq, %eq3A_124, %iota3A : vector<256x128xi32>
    %convert_element_type3A_126 = arith.extui %eq3A_125 : vector<256x128xi1> to vector<256x128xi32>
    %convert_element_type3A_127 = arith.sitofp %convert_element_type3A_126 : vector<256x128xi32> to vector<256x128xf32>
    %reduce_sum3A_128 = arith.constant dense<0.000000e+00> : vector<128xf32>
    %reduce_sum3A_129 = vector.multi_reduction <add>, %convert_element_type3A_127, %reduce_sum3A_128 [0] : vector<256x128xf32> to vector<128xf32>
    %broadcast_in_dim3A_130 = vector.shape_cast %reduce_sum3A_129 : vector<128xf32> to vector<1x128xf32>
    %add3A_131 = arith.addf %add3A_120, %broadcast_in_dim3A_130 : vector<1x128xf32>
    %get3A_132 = arith.constant 3072 : index
    %get3A_133 = arith.constant 0 : index
    %get3A_134 = vector.load %arg0[%get3A_132, %get3A_133] : memref<4096x1xi32, #tpu.memory_space<vmem>>, vector<256x1xi32>
    %eq3A_135 = vector.broadcast %get3A_134 : vector<256x1xi32> to vector<256x128xi32>
    %eq3A_136 = arith.cmpi eq, %eq3A_135, %iota3A : vector<256x128xi32>
    %convert_element_type3A_137 = arith.extui %eq3A_136 : vector<256x128xi1> to vector<256x128xi32>
    %convert_element_type3A_138 = arith.sitofp %convert_element_type3A_137 : vector<256x128xi32> to vector<256x128xf32>
    %reduce_sum3A_139 = arith.constant dense<0.000000e+00> : vector<128xf32>
    %reduce_sum3A_140 = vector.multi_reduction <add>, %convert_element_type3A_138, %reduce_sum3A_139 [0] : vector<256x128xf32> to vector<128xf32>
    %broadcast_in_dim3A_141 = vector.shape_cast %reduce_sum3A_140 : vector<128xf32> to vector<1x128xf32>
    %add3A_142 = arith.addf %add3A_131, %broadcast_in_dim3A_141 : vector<1x128xf32>
    %get3A_143 = arith.constant 3328 : index
    %get3A_144 = arith.constant 0 : index
    %get3A_145 = vector.load %arg0[%get3A_143, %get3A_144] : memref<4096x1xi32, #tpu.memory_space<vmem>>, vector<256x1xi32>
    %eq3A_146 = vector.broadcast %get3A_145 : vector<256x1xi32> to vector<256x128xi32>
    %eq3A_147 = arith.cmpi eq, %eq3A_146, %iota3A : vector<256x128xi32>
    %convert_element_type3A_148 = arith.extui %eq3A_147 : vector<256x128xi1> to vector<256x128xi32>
    %convert_element_type3A_149 = arith.sitofp %convert_element_type3A_148 : vector<256x128xi32> to vector<256x128xf32>
    %reduce_sum3A_150 = arith.constant dense<0.000000e+00> : vector<128xf32>
    %reduce_sum3A_151 = vector.multi_reduction <add>, %convert_element_type3A_149, %reduce_sum3A_150 [0] : vector<256x128xf32> to vector<128xf32>
    %broadcast_in_dim3A_152 = vector.shape_cast %reduce_sum3A_151 : vector<128xf32> to vector<1x128xf32>
    %add3A_153 = arith.addf %add3A_142, %broadcast_in_dim3A_152 : vector<1x128xf32>
    %get3A_154 = arith.constant 3584 : index
    %get3A_155 = arith.constant 0 : index
    %get3A_156 = vector.load %arg0[%get3A_154, %get3A_155] : memref<4096x1xi32, #tpu.memory_space<vmem>>, vector<256x1xi32>
    %eq3A_157 = vector.broadcast %get3A_156 : vector<256x1xi32> to vector<256x128xi32>
    %eq3A_158 = arith.cmpi eq, %eq3A_157, %iota3A : vector<256x128xi32>
    %convert_element_type3A_159 = arith.extui %eq3A_158 : vector<256x128xi1> to vector<256x128xi32>
    %convert_element_type3A_160 = arith.sitofp %convert_element_type3A_159 : vector<256x128xi32> to vector<256x128xf32>
    %reduce_sum3A_161 = arith.constant dense<0.000000e+00> : vector<128xf32>
    %reduce_sum3A_162 = vector.multi_reduction <add>, %convert_element_type3A_160, %reduce_sum3A_161 [0] : vector<256x128xf32> to vector<128xf32>
    %broadcast_in_dim3A_163 = vector.shape_cast %reduce_sum3A_162 : vector<128xf32> to vector<1x128xf32>
    %add3A_164 = arith.addf %add3A_153, %broadcast_in_dim3A_163 : vector<1x128xf32>
    %get3A_165 = arith.constant 3840 : index
    %get3A_166 = arith.constant 0 : index
    %get3A_167 = vector.load %arg0[%get3A_165, %get3A_166] : memref<4096x1xi32, #tpu.memory_space<vmem>>, vector<256x1xi32>
    %eq3A_168 = vector.broadcast %get3A_167 : vector<256x1xi32> to vector<256x128xi32>
    %eq3A_169 = arith.cmpi eq, %eq3A_168, %iota3A : vector<256x128xi32>
    %convert_element_type3A_170 = arith.extui %eq3A_169 : vector<256x128xi1> to vector<256x128xi32>
    %convert_element_type3A_171 = arith.sitofp %convert_element_type3A_170 : vector<256x128xi32> to vector<256x128xf32>
    %reduce_sum3A_172 = arith.constant dense<0.000000e+00> : vector<128xf32>
    %reduce_sum3A_173 = vector.multi_reduction <add>, %convert_element_type3A_171, %reduce_sum3A_172 [0] : vector<256x128xf32> to vector<128xf32>
    %broadcast_in_dim3A_174 = vector.shape_cast %reduce_sum3A_173 : vector<128xf32> to vector<1x128xf32>
    %add3A_175 = arith.addf %add3A_164, %broadcast_in_dim3A_174 : vector<1x128xf32>
    %add3A_176 = arith.constant 2.550000e+02 : f32
    %add3A_177 = vector.broadcast %add3A_176 : f32 to vector<1x128xf32>
    %add3A_178 = arith.addf %add3A_175, %add3A_177 : vector<1x128xf32>
    %mul3A = arith.constant 3.906250e-03 : f32
    %mul3A_179 = vector.broadcast %mul3A : f32 to vector<1x128xf32>
    %mul3A_180 = arith.mulf %add3A_178, %mul3A_179 : vector<1x128xf32>
    %floor3A = math.floor %mul3A_180 : vector<1x128xf32>
    %mul3A_181 = arith.constant 2.560000e+02 : f32
    %mul3A_182 = vector.broadcast %mul3A_181 : f32 to vector<1x128xf32>
    %mul3A_183 = arith.mulf %floor3A, %mul3A_182 : vector<1x128xf32>
    %iota3A_184 = tpu.iota {dimensions = array<i32: 0>} : vector<128x128xi32>
    %iota3A_185 = tpu.iota {dimensions = array<i32: 1>} : vector<128x128xi32>
    %lt3A = arith.cmpi slt, %iota3A_184, %iota3A_185 : vector<128x128xi32>
    %convert_element_type3A_186 = arith.extui %lt3A : vector<128x128xi1> to vector<128x128xi32>
    %convert_element_type3A_187 = arith.sitofp %convert_element_type3A_186 : vector<128x128xi32> to vector<128x128xf32>
    %dot_general3A = arith.constant dense<0.000000e+00> : vector<1x128xf32>
    %dot_general3A_188 = tpu.matmul %mul3A_183, %convert_element_type3A_187, %dot_general3A {dimension_numbers = #tpu.dot_dimension_numbers<[1], [0], [0], [1], [0, 0, 1, 1], [], []>, transpose_lhs_hint = false} : vector<1x128xf32>, vector<128x128xf32>, vector<1x128xf32> -> vector<1x128xf32>
    %iota3A_189 = tpu.iota {dimensions = array<i32: 0>} : vector<128x128xi32>
    %convert_element_type3A_190 = arith.sitofp %iota3A_189 : vector<128x128xi32> to vector<128x128xf32>
    %mul3A_191 = arith.constant 2.560000e+02 : f32
    %mul3A_192 = vector.broadcast %mul3A_191 : f32 to vector<128x128xf32>
    %mul3A_193 = arith.mulf %convert_element_type3A_190, %mul3A_192 : vector<128x128xf32>
    %broadcast_in_dim3A_194 = vector.shape_cast %dot_general3A_188 : vector<1x128xf32> to vector<1x128xf32>
    %broadcast_in_dim3A_195 = vector.broadcast %broadcast_in_dim3A_194 : vector<1x128xf32> to vector<128x128xf32>
    %broadcast_in_dim3A_196 = vector.shape_cast %mul3A_183 : vector<1x128xf32> to vector<1x128xf32>
    %broadcast_in_dim3A_197 = vector.broadcast %broadcast_in_dim3A_196 : vector<1x128xf32> to vector<128x128xf32>
    %add3A_198 = arith.addf %broadcast_in_dim3A_195, %broadcast_in_dim3A_197 : vector<128x128xf32>
    %ge3A = arith.cmpf oge, %mul3A_193, %broadcast_in_dim3A_195 : vector<128x128xf32>
    %lt3A_199 = arith.cmpf olt, %mul3A_193, %add3A_198 : vector<128x128xf32>
    %and3A = arith.andi %ge3A, %lt3A_199 : vector<128x128xi1>
    %convert_element_type3A_200 = arith.extui %and3A : vector<128x128xi1> to vector<128x128xi32>
    %convert_element_type3A_201 = arith.sitofp %convert_element_type3A_200 : vector<128x128xi32> to vector<128x128xf32>
    %iota3A_202 = tpu.iota {dimensions = array<i32: 1>} : vector<1x128xi32>
    %convert_element_type3A_203 = arith.sitofp %iota3A_202 : vector<1x128xi32> to vector<1x128xf32>
    %broadcast_in_dim3A_204 = vector.shape_cast %convert_element_type3A_203 : vector<1x128xf32> to vector<1x128xf32>
    %broadcast_in_dim3A_205 = vector.broadcast %broadcast_in_dim3A_204 : vector<1x128xf32> to vector<128x128xf32>
    %mul3A_206 = arith.mulf %convert_element_type3A_201, %broadcast_in_dim3A_205 : vector<128x128xf32>
    %reduce_sum3A_207 = arith.constant dense<0.000000e+00> : vector<128xf32>
    %reduce_sum3A_208 = vector.multi_reduction <add>, %mul3A_206, %reduce_sum3A_207 [1] : vector<128x128xf32> to vector<128xf32>
    %broadcast_in_dim3A_209 = vector.shape_cast %reduce_sum3A_208 : vector<128xf32> to vector<128x1xf32>
    %reduce_sum3A_210 = arith.constant dense<0.000000e+00> : vector<128xf32>
    %reduce_sum3A_211 = vector.multi_reduction <add>, %convert_element_type3A_201, %reduce_sum3A_210 [1] : vector<128x128xf32> to vector<128xf32>
    %broadcast_in_dim3A_212 = vector.shape_cast %reduce_sum3A_211 : vector<128xf32> to vector<128x1xf32>
    %gt3A_213 = arith.constant 0.000000e+00 : f32
    %gt3A_214 = vector.broadcast %gt3A_213 : f32 to vector<128x1xf32>
    %gt3A_215 = arith.cmpf ogt, %broadcast_in_dim3A_212, %gt3A_214 : vector<128x1xf32>
    %jit3A = arith.constant -1.000000e+00 : f32
    %broadcast_in_dim3A_216 = vector.broadcast %jit3A : f32 to vector<128x1xf32>
    %select_n3A = arith.select %gt3A_215, %broadcast_in_dim3A_209, %broadcast_in_dim3A_216 : vector<128x1xi1>, vector<128x1xf32>
    %convert_element_type3A_217 = arith.fptosi %select_n3A : vector<128x1xf32> to vector<128x1xi32>
    %swap3A = arith.constant 0 : index
    %swap3A_218 = arith.constant 0 : index
    %swap3A_219 = vector.load %arg2[%swap3A, %swap3A_218] : memref<128x1xi32, #tpu.memory_space<vmem>>, vector<128x1xi32>
    tpu.vector_store %arg2[%swap3A, %swap3A_218], %convert_element_type3A_217 {strides = array<i32>} : memref<128x1xi32, #tpu.memory_space<vmem>>, vector<128x1xi32>,
    %broadcast_in_dim3A_220 = arith.constant 0.000000e+00 : f32
    %broadcast_in_dim3A_221 = vector.broadcast %broadcast_in_dim3A_220 : f32 to vector<1x128xf32>
    %get3A_222 = arith.constant 0 : index
    %get3A_223 = arith.constant 0 : index
    %get3A_224 = vector.load %arg0[%get3A_222, %get3A_223] : memref<4096x1xi32, #tpu.memory_space<vmem>>, vector<256x1xi32>
    %eq3A_225 = vector.broadcast %get3A_224 : vector<256x1xi32> to vector<256x128xi32>
    %eq3A_226 = arith.cmpi eq, %eq3A_225, %iota3A : vector<256x128xi32>
    %convert_element_type3A_227 = arith.extui %eq3A_226 : vector<256x128xi1> to vector<256x128xi32>
    %convert_element_type3A_228 = arith.sitofp %convert_element_type3A_227 : vector<256x128xi32> to vector<256x128xf32>
    %dot_general3A_229 = arith.constant dense<0.000000e+00> : vector<256x128xf32>
    %dot_general3A_230 = tpu.matmul %convert_element_type3A_2, %convert_element_type3A_228, %dot_general3A_229 {dimension_numbers = #tpu.dot_dimension_numbers<[1], [0], [0], [1], [0, 0, 1, 1], [], []>, transpose_lhs_hint = false} : vector<256x256xf32>, vector<256x128xf32>, vector<256x128xf32> -> vector<256x128xf32>
    %add3A_231 = arith.addf %broadcast_in_dim3A_221, %dot_general3A_188 : vector<1x128xf32>
    %broadcast_in_dim3A_232 = vector.shape_cast %add3A_231 : vector<1x128xf32> to vector<1x128xf32>
    %broadcast_in_dim3A_233 = vector.broadcast %broadcast_in_dim3A_232 : vector<1x128xf32> to vector<256x128xf32>
    %add3A_234 = arith.addf %broadcast_in_dim3A_233, %dot_general3A_230 : vector<256x128xf32>
    %mul3A_235 = arith.mulf %convert_element_type3A_228, %add3A_234 : vector<256x128xf32>
    %reduce_sum3A_236 = arith.constant dense<0.000000e+00> : vector<256xf32>
    %reduce_sum3A_237 = vector.multi_reduction <add>, %mul3A_235, %reduce_sum3A_236 [1] : vector<256x128xf32> to vector<256xf32>
    %broadcast_in_dim3A_238 = vector.shape_cast %reduce_sum3A_237 : vector<256xf32> to vector<256x1xf32>
    %convert_element_type3A_239 = arith.fptosi %broadcast_in_dim3A_238 : vector<256x1xf32> to vector<256x1xi32>
    %swap3A_240 = arith.constant 0 : index
    %swap3A_241 = arith.constant 0 : index
    %swap3A_242 = vector.load %arg1[%swap3A_240, %swap3A_241] : memref<4096x1xi32, #tpu.memory_space<vmem>>, vector<256x1xi32>
    tpu.vector_store %arg1[%swap3A_240, %swap3A_241], %convert_element_type3A_239 {strides = array<i32>} : memref<4096x1xi32, #tpu.memory_space<vmem>>, vector<256x1xi32>,
    %reduce_sum3A_243 = arith.constant dense<0.000000e+00> : vector<128xf32>
    %reduce_sum3A_244 = vector.multi_reduction <add>, %convert_element_type3A_228, %reduce_sum3A_243 [0] : vector<256x128xf32> to vector<128xf32>
    %broadcast_in_dim3A_245 = vector.shape_cast %reduce_sum3A_244 : vector<128xf32> to vector<1x128xf32>
    %add3A_246 = arith.addf %broadcast_in_dim3A_221, %broadcast_in_dim3A_245 : vector<1x128xf32>
    %get3A_247 = arith.constant 256 : index
    %get3A_248 = arith.constant 0 : index
    %get3A_249 = vector.load %arg0[%get3A_247, %get3A_248] : memref<4096x1xi32, #tpu.memory_space<vmem>>, vector<256x1xi32>
    %eq3A_250 = vector.broadcast %get3A_249 : vector<256x1xi32> to vector<256x128xi32>
    %eq3A_251 = arith.cmpi eq, %eq3A_250, %iota3A : vector<256x128xi32>
    %convert_element_type3A_252 = arith.extui %eq3A_251 : vector<256x128xi1> to vector<256x128xi32>
    %convert_element_type3A_253 = arith.sitofp %convert_element_type3A_252 : vector<256x128xi32> to vector<256x128xf32>
    %dot_general3A_254 = arith.constant dense<0.000000e+00> : vector<256x128xf32>
    %dot_general3A_255 = tpu.matmul %convert_element_type3A_2, %convert_element_type3A_253, %dot_general3A_254 {dimension_numbers = #tpu.dot_dimension_numbers<[1], [0], [0], [1], [0, 0, 1, 1], [], []>, transpose_lhs_hint = false} : vector<256x256xf32>, vector<256x128xf32>, vector<256x128xf32> -> vector<256x128xf32>
    %add3A_256 = arith.addf %add3A_246, %dot_general3A_188 : vector<1x128xf32>
    %broadcast_in_dim3A_257 = vector.shape_cast %add3A_256 : vector<1x128xf32> to vector<1x128xf32>
    %broadcast_in_dim3A_258 = vector.broadcast %broadcast_in_dim3A_257 : vector<1x128xf32> to vector<256x128xf32>
    %add3A_259 = arith.addf %broadcast_in_dim3A_258, %dot_general3A_255 : vector<256x128xf32>
    %mul3A_260 = arith.mulf %convert_element_type3A_253, %add3A_259 : vector<256x128xf32>
    %reduce_sum3A_261 = arith.constant dense<0.000000e+00> : vector<256xf32>
    %reduce_sum3A_262 = vector.multi_reduction <add>, %mul3A_260, %reduce_sum3A_261 [1] : vector<256x128xf32> to vector<256xf32>
    %broadcast_in_dim3A_263 = vector.shape_cast %reduce_sum3A_262 : vector<256xf32> to vector<256x1xf32>
    %convert_element_type3A_264 = arith.fptosi %broadcast_in_dim3A_263 : vector<256x1xf32> to vector<256x1xi32>
    %swap3A_265 = arith.constant 256 : index
    %swap3A_266 = arith.constant 0 : index
    %swap3A_267 = vector.load %arg1[%swap3A_265, %swap3A_266] : memref<4096x1xi32, #tpu.memory_space<vmem>>, vector<256x1xi32>
    tpu.vector_store %arg1[%swap3A_265, %swap3A_266], %convert_element_type3A_264 {strides = array<i32>} : memref<4096x1xi32, #tpu.memory_space<vmem>>, vector<256x1xi32>,
    %reduce_sum3A_268 = arith.constant dense<0.000000e+00> : vector<128xf32>
    %reduce_sum3A_269 = vector.multi_reduction <add>, %convert_element_type3A_253, %reduce_sum3A_268 [0] : vector<256x128xf32> to vector<128xf32>
    %broadcast_in_dim3A_270 = vector.shape_cast %reduce_sum3A_269 : vector<128xf32> to vector<1x128xf32>
    %add3A_271 = arith.addf %add3A_246, %broadcast_in_dim3A_270 : vector<1x128xf32>
    %get3A_272 = arith.constant 512 : index
    %get3A_273 = arith.constant 0 : index
    %get3A_274 = vector.load %arg0[%get3A_272, %get3A_273] : memref<4096x1xi32, #tpu.memory_space<vmem>>, vector<256x1xi32>
    %eq3A_275 = vector.broadcast %get3A_274 : vector<256x1xi32> to vector<256x128xi32>
    %eq3A_276 = arith.cmpi eq, %eq3A_275, %iota3A : vector<256x128xi32>
    %convert_element_type3A_277 = arith.extui %eq3A_276 : vector<256x128xi1> to vector<256x128xi32>
    %convert_element_type3A_278 = arith.sitofp %convert_element_type3A_277 : vector<256x128xi32> to vector<256x128xf32>
    %dot_general3A_279 = arith.constant dense<0.000000e+00> : vector<256x128xf32>
    %dot_general3A_280 = tpu.matmul %convert_element_type3A_2, %convert_element_type3A_278, %dot_general3A_279 {dimension_numbers = #tpu.dot_dimension_numbers<[1], [0], [0], [1], [0, 0, 1, 1], [], []>, transpose_lhs_hint = false} : vector<256x256xf32>, vector<256x128xf32>, vector<256x128xf32> -> vector<256x128xf32>
    %add3A_281 = arith.addf %add3A_271, %dot_general3A_188 : vector<1x128xf32>
    %broadcast_in_dim3A_282 = vector.shape_cast %add3A_281 : vector<1x128xf32> to vector<1x128xf32>
    %broadcast_in_dim3A_283 = vector.broadcast %broadcast_in_dim3A_282 : vector<1x128xf32> to vector<256x128xf32>
    %add3A_284 = arith.addf %broadcast_in_dim3A_283, %dot_general3A_280 : vector<256x128xf32>
    %mul3A_285 = arith.mulf %convert_element_type3A_278, %add3A_284 : vector<256x128xf32>
    %reduce_sum3A_286 = arith.constant dense<0.000000e+00> : vector<256xf32>
    %reduce_sum3A_287 = vector.multi_reduction <add>, %mul3A_285, %reduce_sum3A_286 [1] : vector<256x128xf32> to vector<256xf32>
    %broadcast_in_dim3A_288 = vector.shape_cast %reduce_sum3A_287 : vector<256xf32> to vector<256x1xf32>
    %convert_element_type3A_289 = arith.fptosi %broadcast_in_dim3A_288 : vector<256x1xf32> to vector<256x1xi32>
    %swap3A_290 = arith.constant 512 : index
    %swap3A_291 = arith.constant 0 : index
    %swap3A_292 = vector.load %arg1[%swap3A_290, %swap3A_291] : memref<4096x1xi32, #tpu.memory_space<vmem>>, vector<256x1xi32>
    tpu.vector_store %arg1[%swap3A_290, %swap3A_291], %convert_element_type3A_289 {strides = array<i32>} : memref<4096x1xi32, #tpu.memory_space<vmem>>, vector<256x1xi32>,
    %reduce_sum3A_293 = arith.constant dense<0.000000e+00> : vector<128xf32>
    %reduce_sum3A_294 = vector.multi_reduction <add>, %convert_element_type3A_278, %reduce_sum3A_293 [0] : vector<256x128xf32> to vector<128xf32>
    %broadcast_in_dim3A_295 = vector.shape_cast %reduce_sum3A_294 : vector<128xf32> to vector<1x128xf32>
    %add3A_296 = arith.addf %add3A_271, %broadcast_in_dim3A_295 : vector<1x128xf32>
    %get3A_297 = arith.constant 768 : index
    %get3A_298 = arith.constant 0 : index
    %get3A_299 = vector.load %arg0[%get3A_297, %get3A_298] : memref<4096x1xi32, #tpu.memory_space<vmem>>, vector<256x1xi32>
    %eq3A_300 = vector.broadcast %get3A_299 : vector<256x1xi32> to vector<256x128xi32>
    %eq3A_301 = arith.cmpi eq, %eq3A_300, %iota3A : vector<256x128xi32>
    %convert_element_type3A_302 = arith.extui %eq3A_301 : vector<256x128xi1> to vector<256x128xi32>
    %convert_element_type3A_303 = arith.sitofp %convert_element_type3A_302 : vector<256x128xi32> to vector<256x128xf32>
    %dot_general3A_304 = arith.constant dense<0.000000e+00> : vector<256x128xf32>
    %dot_general3A_305 = tpu.matmul %convert_element_type3A_2, %convert_element_type3A_303, %dot_general3A_304 {dimension_numbers = #tpu.dot_dimension_numbers<[1], [0], [0], [1], [0, 0, 1, 1], [], []>, transpose_lhs_hint = false} : vector<256x256xf32>, vector<256x128xf32>, vector<256x128xf32> -> vector<256x128xf32>
    %add3A_306 = arith.addf %add3A_296, %dot_general3A_188 : vector<1x128xf32>
    %broadcast_in_dim3A_307 = vector.shape_cast %add3A_306 : vector<1x128xf32> to vector<1x128xf32>
    %broadcast_in_dim3A_308 = vector.broadcast %broadcast_in_dim3A_307 : vector<1x128xf32> to vector<256x128xf32>
    %add3A_309 = arith.addf %broadcast_in_dim3A_308, %dot_general3A_305 : vector<256x128xf32>
    %mul3A_310 = arith.mulf %convert_element_type3A_303, %add3A_309 : vector<256x128xf32>
    %reduce_sum3A_311 = arith.constant dense<0.000000e+00> : vector<256xf32>
    %reduce_sum3A_312 = vector.multi_reduction <add>, %mul3A_310, %reduce_sum3A_311 [1] : vector<256x128xf32> to vector<256xf32>
    %broadcast_in_dim3A_313 = vector.shape_cast %reduce_sum3A_312 : vector<256xf32> to vector<256x1xf32>
    %convert_element_type3A_314 = arith.fptosi %broadcast_in_dim3A_313 : vector<256x1xf32> to vector<256x1xi32>
    %swap3A_315 = arith.constant 768 : index
    %swap3A_316 = arith.constant 0 : index
    %swap3A_317 = vector.load %arg1[%swap3A_315, %swap3A_316] : memref<4096x1xi32, #tpu.memory_space<vmem>>, vector<256x1xi32>
    tpu.vector_store %arg1[%swap3A_315, %swap3A_316], %convert_element_type3A_314 {strides = array<i32>} : memref<4096x1xi32, #tpu.memory_space<vmem>>, vector<256x1xi32>,
    %reduce_sum3A_318 = arith.constant dense<0.000000e+00> : vector<128xf32>
    %reduce_sum3A_319 = vector.multi_reduction <add>, %convert_element_type3A_303, %reduce_sum3A_318 [0] : vector<256x128xf32> to vector<128xf32>
    %broadcast_in_dim3A_320 = vector.shape_cast %reduce_sum3A_319 : vector<128xf32> to vector<1x128xf32>
    %add3A_321 = arith.addf %add3A_296, %broadcast_in_dim3A_320 : vector<1x128xf32>
    %get3A_322 = arith.constant 1024 : index
    %get3A_323 = arith.constant 0 : index
    %get3A_324 = vector.load %arg0[%get3A_322, %get3A_323] : memref<4096x1xi32, #tpu.memory_space<vmem>>, vector<256x1xi32>
    %eq3A_325 = vector.broadcast %get3A_324 : vector<256x1xi32> to vector<256x128xi32>
    %eq3A_326 = arith.cmpi eq, %eq3A_325, %iota3A : vector<256x128xi32>
    %convert_element_type3A_327 = arith.extui %eq3A_326 : vector<256x128xi1> to vector<256x128xi32>
    %convert_element_type3A_328 = arith.sitofp %convert_element_type3A_327 : vector<256x128xi32> to vector<256x128xf32>
    %dot_general3A_329 = arith.constant dense<0.000000e+00> : vector<256x128xf32>
    %dot_general3A_330 = tpu.matmul %convert_element_type3A_2, %convert_element_type3A_328, %dot_general3A_329 {dimension_numbers = #tpu.dot_dimension_numbers<[1], [0], [0], [1], [0, 0, 1, 1], [], []>, transpose_lhs_hint = false} : vector<256x256xf32>, vector<256x128xf32>, vector<256x128xf32> -> vector<256x128xf32>
    %add3A_331 = arith.addf %add3A_321, %dot_general3A_188 : vector<1x128xf32>
    %broadcast_in_dim3A_332 = vector.shape_cast %add3A_331 : vector<1x128xf32> to vector<1x128xf32>
    %broadcast_in_dim3A_333 = vector.broadcast %broadcast_in_dim3A_332 : vector<1x128xf32> to vector<256x128xf32>
    %add3A_334 = arith.addf %broadcast_in_dim3A_333, %dot_general3A_330 : vector<256x128xf32>
    %mul3A_335 = arith.mulf %convert_element_type3A_328, %add3A_334 : vector<256x128xf32>
    %reduce_sum3A_336 = arith.constant dense<0.000000e+00> : vector<256xf32>
    %reduce_sum3A_337 = vector.multi_reduction <add>, %mul3A_335, %reduce_sum3A_336 [1] : vector<256x128xf32> to vector<256xf32>
    %broadcast_in_dim3A_338 = vector.shape_cast %reduce_sum3A_337 : vector<256xf32> to vector<256x1xf32>
    %convert_element_type3A_339 = arith.fptosi %broadcast_in_dim3A_338 : vector<256x1xf32> to vector<256x1xi32>
    %swap3A_340 = arith.constant 1024 : index
    %swap3A_341 = arith.constant 0 : index
    %swap3A_342 = vector.load %arg1[%swap3A_340, %swap3A_341] : memref<4096x1xi32, #tpu.memory_space<vmem>>, vector<256x1xi32>
    tpu.vector_store %arg1[%swap3A_340, %swap3A_341], %convert_element_type3A_339 {strides = array<i32>} : memref<4096x1xi32, #tpu.memory_space<vmem>>, vector<256x1xi32>,
    %reduce_sum3A_343 = arith.constant dense<0.000000e+00> : vector<128xf32>
    %reduce_sum3A_344 = vector.multi_reduction <add>, %convert_element_type3A_328, %reduce_sum3A_343 [0] : vector<256x128xf32> to vector<128xf32>
    %broadcast_in_dim3A_345 = vector.shape_cast %reduce_sum3A_344 : vector<128xf32> to vector<1x128xf32>
    %add3A_346 = arith.addf %add3A_321, %broadcast_in_dim3A_345 : vector<1x128xf32>
    %get3A_347 = arith.constant 1280 : index
    %get3A_348 = arith.constant 0 : index
    %get3A_349 = vector.load %arg0[%get3A_347, %get3A_348] : memref<4096x1xi32, #tpu.memory_space<vmem>>, vector<256x1xi32>
    %eq3A_350 = vector.broadcast %get3A_349 : vector<256x1xi32> to vector<256x128xi32>
    %eq3A_351 = arith.cmpi eq, %eq3A_350, %iota3A : vector<256x128xi32>
    %convert_element_type3A_352 = arith.extui %eq3A_351 : vector<256x128xi1> to vector<256x128xi32>
    %convert_element_type3A_353 = arith.sitofp %convert_element_type3A_352 : vector<256x128xi32> to vector<256x128xf32>
    %dot_general3A_354 = arith.constant dense<0.000000e+00> : vector<256x128xf32>
    %dot_general3A_355 = tpu.matmul %convert_element_type3A_2, %convert_element_type3A_353, %dot_general3A_354 {dimension_numbers = #tpu.dot_dimension_numbers<[1], [0], [0], [1], [0, 0, 1, 1], [], []>, transpose_lhs_hint = false} : vector<256x256xf32>, vector<256x128xf32>, vector<256x128xf32> -> vector<256x128xf32>
    %add3A_356 = arith.addf %add3A_346, %dot_general3A_188 : vector<1x128xf32>
    %broadcast_in_dim3A_357 = vector.shape_cast %add3A_356 : vector<1x128xf32> to vector<1x128xf32>
    %broadcast_in_dim3A_358 = vector.broadcast %broadcast_in_dim3A_357 : vector<1x128xf32> to vector<256x128xf32>
    %add3A_359 = arith.addf %broadcast_in_dim3A_358, %dot_general3A_355 : vector<256x128xf32>
    %mul3A_360 = arith.mulf %convert_element_type3A_353, %add3A_359 : vector<256x128xf32>
    %reduce_sum3A_361 = arith.constant dense<0.000000e+00> : vector<256xf32>
    %reduce_sum3A_362 = vector.multi_reduction <add>, %mul3A_360, %reduce_sum3A_361 [1] : vector<256x128xf32> to vector<256xf32>
    %broadcast_in_dim3A_363 = vector.shape_cast %reduce_sum3A_362 : vector<256xf32> to vector<256x1xf32>
    %convert_element_type3A_364 = arith.fptosi %broadcast_in_dim3A_363 : vector<256x1xf32> to vector<256x1xi32>
    %swap3A_365 = arith.constant 1280 : index
    %swap3A_366 = arith.constant 0 : index
    %swap3A_367 = vector.load %arg1[%swap3A_365, %swap3A_366] : memref<4096x1xi32, #tpu.memory_space<vmem>>, vector<256x1xi32>
    tpu.vector_store %arg1[%swap3A_365, %swap3A_366], %convert_element_type3A_364 {strides = array<i32>} : memref<4096x1xi32, #tpu.memory_space<vmem>>, vector<256x1xi32>,
    %reduce_sum3A_368 = arith.constant dense<0.000000e+00> : vector<128xf32>
    %reduce_sum3A_369 = vector.multi_reduction <add>, %convert_element_type3A_353, %reduce_sum3A_368 [0] : vector<256x128xf32> to vector<128xf32>
    %broadcast_in_dim3A_370 = vector.shape_cast %reduce_sum3A_369 : vector<128xf32> to vector<1x128xf32>
    %add3A_371 = arith.addf %add3A_346, %broadcast_in_dim3A_370 : vector<1x128xf32>
    %get3A_372 = arith.constant 1536 : index
    %get3A_373 = arith.constant 0 : index
    %get3A_374 = vector.load %arg0[%get3A_372, %get3A_373] : memref<4096x1xi32, #tpu.memory_space<vmem>>, vector<256x1xi32>
    %eq3A_375 = vector.broadcast %get3A_374 : vector<256x1xi32> to vector<256x128xi32>
    %eq3A_376 = arith.cmpi eq, %eq3A_375, %iota3A : vector<256x128xi32>
    %convert_element_type3A_377 = arith.extui %eq3A_376 : vector<256x128xi1> to vector<256x128xi32>
    %convert_element_type3A_378 = arith.sitofp %convert_element_type3A_377 : vector<256x128xi32> to vector<256x128xf32>
    %dot_general3A_379 = arith.constant dense<0.000000e+00> : vector<256x128xf32>
    %dot_general3A_380 = tpu.matmul %convert_element_type3A_2, %convert_element_type3A_378, %dot_general3A_379 {dimension_numbers = #tpu.dot_dimension_numbers<[1], [0], [0], [1], [0, 0, 1, 1], [], []>, transpose_lhs_hint = false} : vector<256x256xf32>, vector<256x128xf32>, vector<256x128xf32> -> vector<256x128xf32>
    %add3A_381 = arith.addf %add3A_371, %dot_general3A_188 : vector<1x128xf32>
    %broadcast_in_dim3A_382 = vector.shape_cast %add3A_381 : vector<1x128xf32> to vector<1x128xf32>
    %broadcast_in_dim3A_383 = vector.broadcast %broadcast_in_dim3A_382 : vector<1x128xf32> to vector<256x128xf32>
    %add3A_384 = arith.addf %broadcast_in_dim3A_383, %dot_general3A_380 : vector<256x128xf32>
    %mul3A_385 = arith.mulf %convert_element_type3A_378, %add3A_384 : vector<256x128xf32>
    %reduce_sum3A_386 = arith.constant dense<0.000000e+00> : vector<256xf32>
    %reduce_sum3A_387 = vector.multi_reduction <add>, %mul3A_385, %reduce_sum3A_386 [1] : vector<256x128xf32> to vector<256xf32>
    %broadcast_in_dim3A_388 = vector.shape_cast %reduce_sum3A_387 : vector<256xf32> to vector<256x1xf32>
    %convert_element_type3A_389 = arith.fptosi %broadcast_in_dim3A_388 : vector<256x1xf32> to vector<256x1xi32>
    %swap3A_390 = arith.constant 1536 : index
    %swap3A_391 = arith.constant 0 : index
    %swap3A_392 = vector.load %arg1[%swap3A_390, %swap3A_391] : memref<4096x1xi32, #tpu.memory_space<vmem>>, vector<256x1xi32>
    tpu.vector_store %arg1[%swap3A_390, %swap3A_391], %convert_element_type3A_389 {strides = array<i32>} : memref<4096x1xi32, #tpu.memory_space<vmem>>, vector<256x1xi32>,
    %reduce_sum3A_393 = arith.constant dense<0.000000e+00> : vector<128xf32>
    %reduce_sum3A_394 = vector.multi_reduction <add>, %convert_element_type3A_378, %reduce_sum3A_393 [0] : vector<256x128xf32> to vector<128xf32>
    %broadcast_in_dim3A_395 = vector.shape_cast %reduce_sum3A_394 : vector<128xf32> to vector<1x128xf32>
    %add3A_396 = arith.addf %add3A_371, %broadcast_in_dim3A_395 : vector<1x128xf32>
    %get3A_397 = arith.constant 1792 : index
    %get3A_398 = arith.constant 0 : index
    %get3A_399 = vector.load %arg0[%get3A_397, %get3A_398] : memref<4096x1xi32, #tpu.memory_space<vmem>>, vector<256x1xi32>
    %eq3A_400 = vector.broadcast %get3A_399 : vector<256x1xi32> to vector<256x128xi32>
    %eq3A_401 = arith.cmpi eq, %eq3A_400, %iota3A : vector<256x128xi32>
    %convert_element_type3A_402 = arith.extui %eq3A_401 : vector<256x128xi1> to vector<256x128xi32>
    %convert_element_type3A_403 = arith.sitofp %convert_element_type3A_402 : vector<256x128xi32> to vector<256x128xf32>
    %dot_general3A_404 = arith.constant dense<0.000000e+00> : vector<256x128xf32>
    %dot_general3A_405 = tpu.matmul %convert_element_type3A_2, %convert_element_type3A_403, %dot_general3A_404 {dimension_numbers = #tpu.dot_dimension_numbers<[1], [0], [0], [1], [0, 0, 1, 1], [], []>, transpose_lhs_hint = false} : vector<256x256xf32>, vector<256x128xf32>, vector<256x128xf32> -> vector<256x128xf32>
    %add3A_406 = arith.addf %add3A_396, %dot_general3A_188 : vector<1x128xf32>
    %broadcast_in_dim3A_407 = vector.shape_cast %add3A_406 : vector<1x128xf32> to vector<1x128xf32>
    %broadcast_in_dim3A_408 = vector.broadcast %broadcast_in_dim3A_407 : vector<1x128xf32> to vector<256x128xf32>
    %add3A_409 = arith.addf %broadcast_in_dim3A_408, %dot_general3A_405 : vector<256x128xf32>
    %mul3A_410 = arith.mulf %convert_element_type3A_403, %add3A_409 : vector<256x128xf32>
    %reduce_sum3A_411 = arith.constant dense<0.000000e+00> : vector<256xf32>
    %reduce_sum3A_412 = vector.multi_reduction <add>, %mul3A_410, %reduce_sum3A_411 [1] : vector<256x128xf32> to vector<256xf32>
    %broadcast_in_dim3A_413 = vector.shape_cast %reduce_sum3A_412 : vector<256xf32> to vector<256x1xf32>
    %convert_element_type3A_414 = arith.fptosi %broadcast_in_dim3A_413 : vector<256x1xf32> to vector<256x1xi32>
    %swap3A_415 = arith.constant 1792 : index
    %swap3A_416 = arith.constant 0 : index
    %swap3A_417 = vector.load %arg1[%swap3A_415, %swap3A_416] : memref<4096x1xi32, #tpu.memory_space<vmem>>, vector<256x1xi32>
    tpu.vector_store %arg1[%swap3A_415, %swap3A_416], %convert_element_type3A_414 {strides = array<i32>} : memref<4096x1xi32, #tpu.memory_space<vmem>>, vector<256x1xi32>,
    %reduce_sum3A_418 = arith.constant dense<0.000000e+00> : vector<128xf32>
    %reduce_sum3A_419 = vector.multi_reduction <add>, %convert_element_type3A_403, %reduce_sum3A_418 [0] : vector<256x128xf32> to vector<128xf32>
    %broadcast_in_dim3A_420 = vector.shape_cast %reduce_sum3A_419 : vector<128xf32> to vector<1x128xf32>
    %add3A_421 = arith.addf %add3A_396, %broadcast_in_dim3A_420 : vector<1x128xf32>
    %get3A_422 = arith.constant 2048 : index
    %get3A_423 = arith.constant 0 : index
    %get3A_424 = vector.load %arg0[%get3A_422, %get3A_423] : memref<4096x1xi32, #tpu.memory_space<vmem>>, vector<256x1xi32>
    %eq3A_425 = vector.broadcast %get3A_424 : vector<256x1xi32> to vector<256x128xi32>
    %eq3A_426 = arith.cmpi eq, %eq3A_425, %iota3A : vector<256x128xi32>
    %convert_element_type3A_427 = arith.extui %eq3A_426 : vector<256x128xi1> to vector<256x128xi32>
    %convert_element_type3A_428 = arith.sitofp %convert_element_type3A_427 : vector<256x128xi32> to vector<256x128xf32>
    %dot_general3A_429 = arith.constant dense<0.000000e+00> : vector<256x128xf32>
    %dot_general3A_430 = tpu.matmul %convert_element_type3A_2, %convert_element_type3A_428, %dot_general3A_429 {dimension_numbers = #tpu.dot_dimension_numbers<[1], [0], [0], [1], [0, 0, 1, 1], [], []>, transpose_lhs_hint = false} : vector<256x256xf32>, vector<256x128xf32>, vector<256x128xf32> -> vector<256x128xf32>
    %add3A_431 = arith.addf %add3A_421, %dot_general3A_188 : vector<1x128xf32>
    %broadcast_in_dim3A_432 = vector.shape_cast %add3A_431 : vector<1x128xf32> to vector<1x128xf32>
    %broadcast_in_dim3A_433 = vector.broadcast %broadcast_in_dim3A_432 : vector<1x128xf32> to vector<256x128xf32>
    %add3A_434 = arith.addf %broadcast_in_dim3A_433, %dot_general3A_430 : vector<256x128xf32>
    %mul3A_435 = arith.mulf %convert_element_type3A_428, %add3A_434 : vector<256x128xf32>
    %reduce_sum3A_436 = arith.constant dense<0.000000e+00> : vector<256xf32>
    %reduce_sum3A_437 = vector.multi_reduction <add>, %mul3A_435, %reduce_sum3A_436 [1] : vector<256x128xf32> to vector<256xf32>
    %broadcast_in_dim3A_438 = vector.shape_cast %reduce_sum3A_437 : vector<256xf32> to vector<256x1xf32>
    %convert_element_type3A_439 = arith.fptosi %broadcast_in_dim3A_438 : vector<256x1xf32> to vector<256x1xi32>
    %swap3A_440 = arith.constant 2048 : index
    %swap3A_441 = arith.constant 0 : index
    %swap3A_442 = vector.load %arg1[%swap3A_440, %swap3A_441] : memref<4096x1xi32, #tpu.memory_space<vmem>>, vector<256x1xi32>
    tpu.vector_store %arg1[%swap3A_440, %swap3A_441], %convert_element_type3A_439 {strides = array<i32>} : memref<4096x1xi32, #tpu.memory_space<vmem>>, vector<256x1xi32>,
    %reduce_sum3A_443 = arith.constant dense<0.000000e+00> : vector<128xf32>
    %reduce_sum3A_444 = vector.multi_reduction <add>, %convert_element_type3A_428, %reduce_sum3A_443 [0] : vector<256x128xf32> to vector<128xf32>
    %broadcast_in_dim3A_445 = vector.shape_cast %reduce_sum3A_444 : vector<128xf32> to vector<1x128xf32>
    %add3A_446 = arith.addf %add3A_421, %broadcast_in_dim3A_445 : vector<1x128xf32>
    %get3A_447 = arith.constant 2304 : index
    %get3A_448 = arith.constant 0 : index
    %get3A_449 = vector.load %arg0[%get3A_447, %get3A_448] : memref<4096x1xi32, #tpu.memory_space<vmem>>, vector<256x1xi32>
    %eq3A_450 = vector.broadcast %get3A_449 : vector<256x1xi32> to vector<256x128xi32>
    %eq3A_451 = arith.cmpi eq, %eq3A_450, %iota3A : vector<256x128xi32>
    %convert_element_type3A_452 = arith.extui %eq3A_451 : vector<256x128xi1> to vector<256x128xi32>
    %convert_element_type3A_453 = arith.sitofp %convert_element_type3A_452 : vector<256x128xi32> to vector<256x128xf32>
    %dot_general3A_454 = arith.constant dense<0.000000e+00> : vector<256x128xf32>
    %dot_general3A_455 = tpu.matmul %convert_element_type3A_2, %convert_element_type3A_453, %dot_general3A_454 {dimension_numbers = #tpu.dot_dimension_numbers<[1], [0], [0], [1], [0, 0, 1, 1], [], []>, transpose_lhs_hint = false} : vector<256x256xf32>, vector<256x128xf32>, vector<256x128xf32> -> vector<256x128xf32>
    %add3A_456 = arith.addf %add3A_446, %dot_general3A_188 : vector<1x128xf32>
    %broadcast_in_dim3A_457 = vector.shape_cast %add3A_456 : vector<1x128xf32> to vector<1x128xf32>
    %broadcast_in_dim3A_458 = vector.broadcast %broadcast_in_dim3A_457 : vector<1x128xf32> to vector<256x128xf32>
    %add3A_459 = arith.addf %broadcast_in_dim3A_458, %dot_general3A_455 : vector<256x128xf32>
    %mul3A_460 = arith.mulf %convert_element_type3A_453, %add3A_459 : vector<256x128xf32>
    %reduce_sum3A_461 = arith.constant dense<0.000000e+00> : vector<256xf32>
    %reduce_sum3A_462 = vector.multi_reduction <add>, %mul3A_460, %reduce_sum3A_461 [1] : vector<256x128xf32> to vector<256xf32>
    %broadcast_in_dim3A_463 = vector.shape_cast %reduce_sum3A_462 : vector<256xf32> to vector<256x1xf32>
    %convert_element_type3A_464 = arith.fptosi %broadcast_in_dim3A_463 : vector<256x1xf32> to vector<256x1xi32>
    %swap3A_465 = arith.constant 2304 : index
    %swap3A_466 = arith.constant 0 : index
    %swap3A_467 = vector.load %arg1[%swap3A_465, %swap3A_466] : memref<4096x1xi32, #tpu.memory_space<vmem>>, vector<256x1xi32>
    tpu.vector_store %arg1[%swap3A_465, %swap3A_466], %convert_element_type3A_464 {strides = array<i32>} : memref<4096x1xi32, #tpu.memory_space<vmem>>, vector<256x1xi32>,
    %reduce_sum3A_468 = arith.constant dense<0.000000e+00> : vector<128xf32>
    %reduce_sum3A_469 = vector.multi_reduction <add>, %convert_element_type3A_453, %reduce_sum3A_468 [0] : vector<256x128xf32> to vector<128xf32>
    %broadcast_in_dim3A_470 = vector.shape_cast %reduce_sum3A_469 : vector<128xf32> to vector<1x128xf32>
    %add3A_471 = arith.addf %add3A_446, %broadcast_in_dim3A_470 : vector<1x128xf32>
    %get3A_472 = arith.constant 2560 : index
    %get3A_473 = arith.constant 0 : index
    %get3A_474 = vector.load %arg0[%get3A_472, %get3A_473] : memref<4096x1xi32, #tpu.memory_space<vmem>>, vector<256x1xi32>
    %eq3A_475 = vector.broadcast %get3A_474 : vector<256x1xi32> to vector<256x128xi32>
    %eq3A_476 = arith.cmpi eq, %eq3A_475, %iota3A : vector<256x128xi32>
    %convert_element_type3A_477 = arith.extui %eq3A_476 : vector<256x128xi1> to vector<256x128xi32>
    %convert_element_type3A_478 = arith.sitofp %convert_element_type3A_477 : vector<256x128xi32> to vector<256x128xf32>
    %dot_general3A_479 = arith.constant dense<0.000000e+00> : vector<256x128xf32>
    %dot_general3A_480 = tpu.matmul %convert_element_type3A_2, %convert_element_type3A_478, %dot_general3A_479 {dimension_numbers = #tpu.dot_dimension_numbers<[1], [0], [0], [1], [0, 0, 1, 1], [], []>, transpose_lhs_hint = false} : vector<256x256xf32>, vector<256x128xf32>, vector<256x128xf32> -> vector<256x128xf32>
    %add3A_481 = arith.addf %add3A_471, %dot_general3A_188 : vector<1x128xf32>
    %broadcast_in_dim3A_482 = vector.shape_cast %add3A_481 : vector<1x128xf32> to vector<1x128xf32>
    %broadcast_in_dim3A_483 = vector.broadcast %broadcast_in_dim3A_482 : vector<1x128xf32> to vector<256x128xf32>
    %add3A_484 = arith.addf %broadcast_in_dim3A_483, %dot_general3A_480 : vector<256x128xf32>
    %mul3A_485 = arith.mulf %convert_element_type3A_478, %add3A_484 : vector<256x128xf32>
    %reduce_sum3A_486 = arith.constant dense<0.000000e+00> : vector<256xf32>
    %reduce_sum3A_487 = vector.multi_reduction <add>, %mul3A_485, %reduce_sum3A_486 [1] : vector<256x128xf32> to vector<256xf32>
    %broadcast_in_dim3A_488 = vector.shape_cast %reduce_sum3A_487 : vector<256xf32> to vector<256x1xf32>
    %convert_element_type3A_489 = arith.fptosi %broadcast_in_dim3A_488 : vector<256x1xf32> to vector<256x1xi32>
    %swap3A_490 = arith.constant 2560 : index
    %swap3A_491 = arith.constant 0 : index
    %swap3A_492 = vector.load %arg1[%swap3A_490, %swap3A_491] : memref<4096x1xi32, #tpu.memory_space<vmem>>, vector<256x1xi32>
    tpu.vector_store %arg1[%swap3A_490, %swap3A_491], %convert_element_type3A_489 {strides = array<i32>} : memref<4096x1xi32, #tpu.memory_space<vmem>>, vector<256x1xi32>,
    %reduce_sum3A_493 = arith.constant dense<0.000000e+00> : vector<128xf32>
    %reduce_sum3A_494 = vector.multi_reduction <add>, %convert_element_type3A_478, %reduce_sum3A_493 [0] : vector<256x128xf32> to vector<128xf32>
    %broadcast_in_dim3A_495 = vector.shape_cast %reduce_sum3A_494 : vector<128xf32> to vector<1x128xf32>
    %add3A_496 = arith.addf %add3A_471, %broadcast_in_dim3A_495 : vector<1x128xf32>
    %get3A_497 = arith.constant 2816 : index
    %get3A_498 = arith.constant 0 : index
    %get3A_499 = vector.load %arg0[%get3A_497, %get3A_498] : memref<4096x1xi32, #tpu.memory_space<vmem>>, vector<256x1xi32>
    %eq3A_500 = vector.broadcast %get3A_499 : vector<256x1xi32> to vector<256x128xi32>
    %eq3A_501 = arith.cmpi eq, %eq3A_500, %iota3A : vector<256x128xi32>
    %convert_element_type3A_502 = arith.extui %eq3A_501 : vector<256x128xi1> to vector<256x128xi32>
    %convert_element_type3A_503 = arith.sitofp %convert_element_type3A_502 : vector<256x128xi32> to vector<256x128xf32>
    %dot_general3A_504 = arith.constant dense<0.000000e+00> : vector<256x128xf32>
    %dot_general3A_505 = tpu.matmul %convert_element_type3A_2, %convert_element_type3A_503, %dot_general3A_504 {dimension_numbers = #tpu.dot_dimension_numbers<[1], [0], [0], [1], [0, 0, 1, 1], [], []>, transpose_lhs_hint = false} : vector<256x256xf32>, vector<256x128xf32>, vector<256x128xf32> -> vector<256x128xf32>
    %add3A_506 = arith.addf %add3A_496, %dot_general3A_188 : vector<1x128xf32>
    %broadcast_in_dim3A_507 = vector.shape_cast %add3A_506 : vector<1x128xf32> to vector<1x128xf32>
    %broadcast_in_dim3A_508 = vector.broadcast %broadcast_in_dim3A_507 : vector<1x128xf32> to vector<256x128xf32>
    %add3A_509 = arith.addf %broadcast_in_dim3A_508, %dot_general3A_505 : vector<256x128xf32>
    %mul3A_510 = arith.mulf %convert_element_type3A_503, %add3A_509 : vector<256x128xf32>
    %reduce_sum3A_511 = arith.constant dense<0.000000e+00> : vector<256xf32>
    %reduce_sum3A_512 = vector.multi_reduction <add>, %mul3A_510, %reduce_sum3A_511 [1] : vector<256x128xf32> to vector<256xf32>
    %broadcast_in_dim3A_513 = vector.shape_cast %reduce_sum3A_512 : vector<256xf32> to vector<256x1xf32>
    %convert_element_type3A_514 = arith.fptosi %broadcast_in_dim3A_513 : vector<256x1xf32> to vector<256x1xi32>
    %swap3A_515 = arith.constant 2816 : index
    %swap3A_516 = arith.constant 0 : index
    %swap3A_517 = vector.load %arg1[%swap3A_515, %swap3A_516] : memref<4096x1xi32, #tpu.memory_space<vmem>>, vector<256x1xi32>
    tpu.vector_store %arg1[%swap3A_515, %swap3A_516], %convert_element_type3A_514 {strides = array<i32>} : memref<4096x1xi32, #tpu.memory_space<vmem>>, vector<256x1xi32>,
    %reduce_sum3A_518 = arith.constant dense<0.000000e+00> : vector<128xf32>
    %reduce_sum3A_519 = vector.multi_reduction <add>, %convert_element_type3A_503, %reduce_sum3A_518 [0] : vector<256x128xf32> to vector<128xf32>
    %broadcast_in_dim3A_520 = vector.shape_cast %reduce_sum3A_519 : vector<128xf32> to vector<1x128xf32>
    %add3A_521 = arith.addf %add3A_496, %broadcast_in_dim3A_520 : vector<1x128xf32>
    %get3A_522 = arith.constant 3072 : index
    %get3A_523 = arith.constant 0 : index
    %get3A_524 = vector.load %arg0[%get3A_522, %get3A_523] : memref<4096x1xi32, #tpu.memory_space<vmem>>, vector<256x1xi32>
    %eq3A_525 = vector.broadcast %get3A_524 : vector<256x1xi32> to vector<256x128xi32>
    %eq3A_526 = arith.cmpi eq, %eq3A_525, %iota3A : vector<256x128xi32>
    %convert_element_type3A_527 = arith.extui %eq3A_526 : vector<256x128xi1> to vector<256x128xi32>
    %convert_element_type3A_528 = arith.sitofp %convert_element_type3A_527 : vector<256x128xi32> to vector<256x128xf32>
    %dot_general3A_529 = arith.constant dense<0.000000e+00> : vector<256x128xf32>
    %dot_general3A_530 = tpu.matmul %convert_element_type3A_2, %convert_element_type3A_528, %dot_general3A_529 {dimension_numbers = #tpu.dot_dimension_numbers<[1], [0], [0], [1], [0, 0, 1, 1], [], []>, transpose_lhs_hint = false} : vector<256x256xf32>, vector<256x128xf32>, vector<256x128xf32> -> vector<256x128xf32>
    %add3A_531 = arith.addf %add3A_521, %dot_general3A_188 : vector<1x128xf32>
    %broadcast_in_dim3A_532 = vector.shape_cast %add3A_531 : vector<1x128xf32> to vector<1x128xf32>
    %broadcast_in_dim3A_533 = vector.broadcast %broadcast_in_dim3A_532 : vector<1x128xf32> to vector<256x128xf32>
    %add3A_534 = arith.addf %broadcast_in_dim3A_533, %dot_general3A_530 : vector<256x128xf32>
    %mul3A_535 = arith.mulf %convert_element_type3A_528, %add3A_534 : vector<256x128xf32>
    %reduce_sum3A_536 = arith.constant dense<0.000000e+00> : vector<256xf32>
    %reduce_sum3A_537 = vector.multi_reduction <add>, %mul3A_535, %reduce_sum3A_536 [1] : vector<256x128xf32> to vector<256xf32>
    %broadcast_in_dim3A_538 = vector.shape_cast %reduce_sum3A_537 : vector<256xf32> to vector<256x1xf32>
    %convert_element_type3A_539 = arith.fptosi %broadcast_in_dim3A_538 : vector<256x1xf32> to vector<256x1xi32>
    %swap3A_540 = arith.constant 3072 : index
    %swap3A_541 = arith.constant 0 : index
    %swap3A_542 = vector.load %arg1[%swap3A_540, %swap3A_541] : memref<4096x1xi32, #tpu.memory_space<vmem>>, vector<256x1xi32>
    tpu.vector_store %arg1[%swap3A_540, %swap3A_541], %convert_element_type3A_539 {strides = array<i32>} : memref<4096x1xi32, #tpu.memory_space<vmem>>, vector<256x1xi32>,
    %reduce_sum3A_543 = arith.constant dense<0.000000e+00> : vector<128xf32>
    %reduce_sum3A_544 = vector.multi_reduction <add>, %convert_element_type3A_528, %reduce_sum3A_543 [0] : vector<256x128xf32> to vector<128xf32>
    %broadcast_in_dim3A_545 = vector.shape_cast %reduce_sum3A_544 : vector<128xf32> to vector<1x128xf32>
    %add3A_546 = arith.addf %add3A_521, %broadcast_in_dim3A_545 : vector<1x128xf32>
    %get3A_547 = arith.constant 3328 : index
    %get3A_548 = arith.constant 0 : index
    %get3A_549 = vector.load %arg0[%get3A_547, %get3A_548] : memref<4096x1xi32, #tpu.memory_space<vmem>>, vector<256x1xi32>
    %eq3A_550 = vector.broadcast %get3A_549 : vector<256x1xi32> to vector<256x128xi32>
    %eq3A_551 = arith.cmpi eq, %eq3A_550, %iota3A : vector<256x128xi32>
    %convert_element_type3A_552 = arith.extui %eq3A_551 : vector<256x128xi1> to vector<256x128xi32>
    %convert_element_type3A_553 = arith.sitofp %convert_element_type3A_552 : vector<256x128xi32> to vector<256x128xf32>
    %dot_general3A_554 = arith.constant dense<0.000000e+00> : vector<256x128xf32>
    %dot_general3A_555 = tpu.matmul %convert_element_type3A_2, %convert_element_type3A_553, %dot_general3A_554 {dimension_numbers = #tpu.dot_dimension_numbers<[1], [0], [0], [1], [0, 0, 1, 1], [], []>, transpose_lhs_hint = false} : vector<256x256xf32>, vector<256x128xf32>, vector<256x128xf32> -> vector<256x128xf32>
    %add3A_556 = arith.addf %add3A_546, %dot_general3A_188 : vector<1x128xf32>
    %broadcast_in_dim3A_557 = vector.shape_cast %add3A_556 : vector<1x128xf32> to vector<1x128xf32>
    %broadcast_in_dim3A_558 = vector.broadcast %broadcast_in_dim3A_557 : vector<1x128xf32> to vector<256x128xf32>
    %add3A_559 = arith.addf %broadcast_in_dim3A_558, %dot_general3A_555 : vector<256x128xf32>
    %mul3A_560 = arith.mulf %convert_element_type3A_553, %add3A_559 : vector<256x128xf32>
    %reduce_sum3A_561 = arith.constant dense<0.000000e+00> : vector<256xf32>
    %reduce_sum3A_562 = vector.multi_reduction <add>, %mul3A_560, %reduce_sum3A_561 [1] : vector<256x128xf32> to vector<256xf32>
    %broadcast_in_dim3A_563 = vector.shape_cast %reduce_sum3A_562 : vector<256xf32> to vector<256x1xf32>
    %convert_element_type3A_564 = arith.fptosi %broadcast_in_dim3A_563 : vector<256x1xf32> to vector<256x1xi32>
    %swap3A_565 = arith.constant 3328 : index
    %swap3A_566 = arith.constant 0 : index
    %swap3A_567 = vector.load %arg1[%swap3A_565, %swap3A_566] : memref<4096x1xi32, #tpu.memory_space<vmem>>, vector<256x1xi32>
    tpu.vector_store %arg1[%swap3A_565, %swap3A_566], %convert_element_type3A_564 {strides = array<i32>} : memref<4096x1xi32, #tpu.memory_space<vmem>>, vector<256x1xi32>,
    %reduce_sum3A_568 = arith.constant dense<0.000000e+00> : vector<128xf32>
    %reduce_sum3A_569 = vector.multi_reduction <add>, %convert_element_type3A_553, %reduce_sum3A_568 [0] : vector<256x128xf32> to vector<128xf32>
    %broadcast_in_dim3A_570 = vector.shape_cast %reduce_sum3A_569 : vector<128xf32> to vector<1x128xf32>
    %add3A_571 = arith.addf %add3A_546, %broadcast_in_dim3A_570 : vector<1x128xf32>
    %get3A_572 = arith.constant 3584 : index
    %get3A_573 = arith.constant 0 : index
    %get3A_574 = vector.load %arg0[%get3A_572, %get3A_573] : memref<4096x1xi32, #tpu.memory_space<vmem>>, vector<256x1xi32>
    %eq3A_575 = vector.broadcast %get3A_574 : vector<256x1xi32> to vector<256x128xi32>
    %eq3A_576 = arith.cmpi eq, %eq3A_575, %iota3A : vector<256x128xi32>
    %convert_element_type3A_577 = arith.extui %eq3A_576 : vector<256x128xi1> to vector<256x128xi32>
    %convert_element_type3A_578 = arith.sitofp %convert_element_type3A_577 : vector<256x128xi32> to vector<256x128xf32>
    %dot_general3A_579 = arith.constant dense<0.000000e+00> : vector<256x128xf32>
    %dot_general3A_580 = tpu.matmul %convert_element_type3A_2, %convert_element_type3A_578, %dot_general3A_579 {dimension_numbers = #tpu.dot_dimension_numbers<[1], [0], [0], [1], [0, 0, 1, 1], [], []>, transpose_lhs_hint = false} : vector<256x256xf32>, vector<256x128xf32>, vector<256x128xf32> -> vector<256x128xf32>
    %add3A_581 = arith.addf %add3A_571, %dot_general3A_188 : vector<1x128xf32>
    %broadcast_in_dim3A_582 = vector.shape_cast %add3A_581 : vector<1x128xf32> to vector<1x128xf32>
    %broadcast_in_dim3A_583 = vector.broadcast %broadcast_in_dim3A_582 : vector<1x128xf32> to vector<256x128xf32>
    %add3A_584 = arith.addf %broadcast_in_dim3A_583, %dot_general3A_580 : vector<256x128xf32>
    %mul3A_585 = arith.mulf %convert_element_type3A_578, %add3A_584 : vector<256x128xf32>
    %reduce_sum3A_586 = arith.constant dense<0.000000e+00> : vector<256xf32>
    %reduce_sum3A_587 = vector.multi_reduction <add>, %mul3A_585, %reduce_sum3A_586 [1] : vector<256x128xf32> to vector<256xf32>
    %broadcast_in_dim3A_588 = vector.shape_cast %reduce_sum3A_587 : vector<256xf32> to vector<256x1xf32>
    %convert_element_type3A_589 = arith.fptosi %broadcast_in_dim3A_588 : vector<256x1xf32> to vector<256x1xi32>
    %swap3A_590 = arith.constant 3584 : index
    %swap3A_591 = arith.constant 0 : index
    %swap3A_592 = vector.load %arg1[%swap3A_590, %swap3A_591] : memref<4096x1xi32, #tpu.memory_space<vmem>>, vector<256x1xi32>
    tpu.vector_store %arg1[%swap3A_590, %swap3A_591], %convert_element_type3A_589 {strides = array<i32>} : memref<4096x1xi32, #tpu.memory_space<vmem>>, vector<256x1xi32>,
    %reduce_sum3A_593 = arith.constant dense<0.000000e+00> : vector<128xf32>
    %reduce_sum3A_594 = vector.multi_reduction <add>, %convert_element_type3A_578, %reduce_sum3A_593 [0] : vector<256x128xf32> to vector<128xf32>
    %broadcast_in_dim3A_595 = vector.shape_cast %reduce_sum3A_594 : vector<128xf32> to vector<1x128xf32>
    %add3A_596 = arith.addf %add3A_571, %broadcast_in_dim3A_595 : vector<1x128xf32>
    %get3A_597 = arith.constant 3840 : index
    %get3A_598 = arith.constant 0 : index
    %get3A_599 = vector.load %arg0[%get3A_597, %get3A_598] : memref<4096x1xi32, #tpu.memory_space<vmem>>, vector<256x1xi32>
    %eq3A_600 = vector.broadcast %get3A_599 : vector<256x1xi32> to vector<256x128xi32>
    %eq3A_601 = arith.cmpi eq, %eq3A_600, %iota3A : vector<256x128xi32>
    %convert_element_type3A_602 = arith.extui %eq3A_601 : vector<256x128xi1> to vector<256x128xi32>
    %convert_element_type3A_603 = arith.sitofp %convert_element_type3A_602 : vector<256x128xi32> to vector<256x128xf32>
    %dot_general3A_604 = arith.constant dense<0.000000e+00> : vector<256x128xf32>
    %dot_general3A_605 = tpu.matmul %convert_element_type3A_2, %convert_element_type3A_603, %dot_general3A_604 {dimension_numbers = #tpu.dot_dimension_numbers<[1], [0], [0], [1], [0, 0, 1, 1], [], []>, transpose_lhs_hint = false} : vector<256x256xf32>, vector<256x128xf32>, vector<256x128xf32> -> vector<256x128xf32>
    %add3A_606 = arith.addf %add3A_596, %dot_general3A_188 : vector<1x128xf32>
    %broadcast_in_dim3A_607 = vector.shape_cast %add3A_606 : vector<1x128xf32> to vector<1x128xf32>
    %broadcast_in_dim3A_608 = vector.broadcast %broadcast_in_dim3A_607 : vector<1x128xf32> to vector<256x128xf32>
    %add3A_609 = arith.addf %broadcast_in_dim3A_608, %dot_general3A_605 : vector<256x128xf32>
    %mul3A_610 = arith.mulf %convert_element_type3A_603, %add3A_609 : vector<256x128xf32>
    %reduce_sum3A_611 = arith.constant dense<0.000000e+00> : vector<256xf32>
    %reduce_sum3A_612 = vector.multi_reduction <add>, %mul3A_610, %reduce_sum3A_611 [1] : vector<256x128xf32> to vector<256xf32>
    %broadcast_in_dim3A_613 = vector.shape_cast %reduce_sum3A_612 : vector<256xf32> to vector<256x1xf32>
    %convert_element_type3A_614 = arith.fptosi %broadcast_in_dim3A_613 : vector<256x1xf32> to vector<256x1xi32>
    %swap3A_615 = arith.constant 3840 : index
    %swap3A_616 = arith.constant 0 : index
    %swap3A_617 = vector.load %arg1[%swap3A_615, %swap3A_616] : memref<4096x1xi32, #tpu.memory_space<vmem>>, vector<256x1xi32>
    tpu.vector_store %arg1[%swap3A_615, %swap3A_616], %convert_element_type3A_614 {strides = array<i32>} : memref<4096x1xi32, #tpu.memory_space<vmem>>, vector<256x1xi32>,
    return
  }
}

module attributes {stable_mosaic.version = 14 : i64} {
  func.func @_ffn_body(%arg0: i32, %arg1: memref<22xi32, #tpu.memory_space<smem>>, %arg2: memref<256x1024xf32, #tpu.memory_space<vmem>>, %arg3: memref<1x1024x768xf32, #tpu.memory_space<vmem>>, %arg4: memref<1x1024x768xf32, #tpu.memory_space<vmem>>, %arg5: memref<1x768x1024xf32, #tpu.memory_space<vmem>>, %arg6: memref<256x1024xf32, #tpu.memory_space<vmem>>) attributes {dimension_semantics = [#tpu.dimension_semantics<arbitrary>], iteration_bounds = array<i64: 22>, scalar_prefetch = 1 : i64, scratch_operands = 0 : i64, tpu.core_type = #tpu.core_type<tc>, window_params = [{transform_indices = @transform_0, window_bounds = array<i64: 256, 1024>}, {transform_indices = @transform_1, window_bounds = array<i64: 1, 1024, 768>}, {transform_indices = @transform_2, window_bounds = array<i64: 1, 1024, 768>}, {transform_indices = @transform_3, window_bounds = array<i64: 1, 768, 1024>}, {transform_indices = @transform_4, window_bounds = array<i64: 256, 1024>}]} {
    %get3A = arith.index_cast %arg0 : i32 to index
    %get3A_0 = memref.load %arg1[%get3A] : memref<22xi32, #tpu.memory_space<smem>>
    %ge3A = arith.constant 0 : i32
    %ge3A_1 = arith.cmpi sge, %get3A_0, %ge3A : i32
    %convert_element_type3A = arith.extui %ge3A_1 : i1 to i32
    %cond3A = arith.constant 0 : i32
    %cond3A_2 = arith.cmpi ne, %convert_element_type3A, %cond3A : i32
    scf.if %cond3A_2 {
      %get3A_9 = arith.constant 0 : index
      %get3A_10 = arith.constant 0 : index
      %get3A_11 = vector.load %arg2[%get3A_9, %get3A_10] : memref<256x1024xf32, #tpu.memory_space<vmem>>, vector<256x1024xf32>
      %get3A_12 = arith.constant 0 : index
      %get3A_13 = arith.constant 0 : index
      %get3A_14 = arith.constant 0 : index
      %get3A_15 = vector.load %arg3[%get3A_12, %get3A_13, %get3A_14] : memref<1x1024x768xf32, #tpu.memory_space<vmem>>, vector<1x1024x768xf32>
      %get3A_16 = vector.shape_cast %get3A_15 : vector<1x1024x768xf32> to vector<1024x768xf32>
      %dot_general3A = arith.constant dense<0.000000e+00> : vector<256x768xf32>
      %dot_general3A_17 = tpu.matmul %get3A_11, %get3A_16, %dot_general3A {dimension_numbers = #tpu.dot_dimension_numbers<[1], [0], [0], [1], [0, 0, 1, 1], [], []>, transpose_lhs_hint = false} : vector<256x1024xf32>, vector<1024x768xf32>, vector<256x768xf32> -> vector<256x768xf32>
      %get3A_18 = arith.constant 0 : index
      %get3A_19 = arith.constant 0 : index
      %get3A_20 = arith.constant 0 : index
      %get3A_21 = vector.load %arg4[%get3A_18, %get3A_19, %get3A_20] : memref<1x1024x768xf32, #tpu.memory_space<vmem>>, vector<1x1024x768xf32>
      %get3A_22 = vector.shape_cast %get3A_21 : vector<1x1024x768xf32> to vector<1024x768xf32>
      %dot_general3A_23 = arith.constant dense<0.000000e+00> : vector<256x768xf32>
      %dot_general3A_24 = tpu.matmul %get3A_11, %get3A_22, %dot_general3A_23 {dimension_numbers = #tpu.dot_dimension_numbers<[1], [0], [0], [1], [0, 0, 1, 1], [], []>, transpose_lhs_hint = false} : vector<256x1024xf32>, vector<1024x768xf32>, vector<256x768xf32> -> vector<256x768xf32>
      %neg3A = arith.constant 0.000000e+00 : f32
      %neg3A_25 = vector.broadcast %neg3A : f32 to vector<256x768xf32>
      %neg3A_26 = arith.subf %neg3A_25, %dot_general3A_17 : vector<256x768xf32>
      %exp3A = math.exp %neg3A_26 : vector<256x768xf32>
      %add3A = arith.constant 1.000000e+00 : f32
      %add3A_27 = vector.broadcast %add3A : f32 to vector<256x768xf32>
      %add3A_28 = arith.addf %add3A_27, %exp3A : vector<256x768xf32>
      %div3A = arith.divf %dot_general3A_17, %add3A_28 : vector<256x768xf32>
      %mul3A = arith.mulf %div3A, %dot_general3A_24 : vector<256x768xf32>
      %get3A_29 = arith.constant 0 : index
      %get3A_30 = arith.constant 0 : index
      %get3A_31 = arith.constant 0 : index
      %get3A_32 = vector.load %arg5[%get3A_29, %get3A_30, %get3A_31] : memref<1x768x1024xf32, #tpu.memory_space<vmem>>, vector<1x768x1024xf32>
      %get3A_33 = vector.shape_cast %get3A_32 : vector<1x768x1024xf32> to vector<768x1024xf32>
      %dot_general3A_34 = arith.constant dense<0.000000e+00> : vector<256x1024xf32>
      %dot_general3A_35 = tpu.matmul %mul3A, %get3A_33, %dot_general3A_34 {dimension_numbers = #tpu.dot_dimension_numbers<[1], [0], [0], [1], [0, 0, 1, 1], [], []>, transpose_lhs_hint = false} : vector<256x768xf32>, vector<768x1024xf32>, vector<256x1024xf32> -> vector<256x1024xf32>
      %swap3A = arith.constant 0 : index
      %swap3A_36 = arith.constant 0 : index
      %swap3A_37 = vector.load %arg6[%swap3A, %swap3A_36] : memref<256x1024xf32, #tpu.memory_space<vmem>>, vector<256x1024xf32>
      tpu.vector_store %arg6[%swap3A, %swap3A_36], %dot_general3A_35 {strides = array<i32>} : memref<256x1024xf32, #tpu.memory_space<vmem>>, vector<256x1024xf32>,
    } else {
    }
    %get3A_3 = arith.index_cast %arg0 : i32 to index
    %get3A_4 = memref.load %arg1[%get3A_3] : memref<22xi32, #tpu.memory_space<smem>>
    %lt3A = arith.constant 0 : i32
    %lt3A_5 = arith.cmpi slt, %get3A_4, %lt3A : i32
    %convert_element_type3A_6 = arith.extui %lt3A_5 : i1 to i32
    %cond3A_7 = arith.constant 0 : i32
    %cond3A_8 = arith.cmpi ne, %convert_element_type3A_6, %cond3A_7 : i32
    scf.if %cond3A_8 {
      %broadcast_in_dim3A = arith.constant 0.000000e+00 : f32
      %broadcast_in_dim3A_9 = vector.broadcast %broadcast_in_dim3A : f32 to vector<256x1024xf32>
      %swap3A = arith.constant 0 : index
      %swap3A_10 = arith.constant 0 : index
      %swap3A_11 = vector.load %arg6[%swap3A, %swap3A_10] : memref<256x1024xf32, #tpu.memory_space<vmem>>, vector<256x1024xf32>
      tpu.vector_store %arg6[%swap3A, %swap3A_10], %broadcast_in_dim3A_9 {strides = array<i32>} : memref<256x1024xf32, #tpu.memory_space<vmem>>, vector<256x1024xf32>,
    } else {
    }
    return
  }
  func.func @transform_0(%arg0: i32, %arg1: memref<22xi32, #tpu.memory_space<smem>>) -> (i32, i32) {
    %c0_i32 = arith.constant 0 : i32
    %c0_i32_0 = arith.constant 0 : i32
    return %arg0, %c0_i32 : i32, i32
  }
  func.func @transform_1(%arg0: i32, %arg1: memref<22xi32, #tpu.memory_space<smem>>) -> (i32, i32, i32) {
    %get3A = arith.index_cast %arg0 : i32 to index
    %get3A_0 = memref.load %arg1[%get3A] : memref<22xi32, #tpu.memory_space<smem>>
    %max3A = arith.constant 0 : i32
    %max3A_1 = arith.maxsi %get3A_0, %max3A : i32
    %c0_i32 = arith.constant 0 : i32
    %c0_i32_2 = arith.constant 0 : i32
    %c0_i32_3 = arith.constant 0 : i32
    return %max3A_1, %c0_i32, %c0_i32_2 : i32, i32, i32
  }
  func.func @transform_2(%arg0: i32, %arg1: memref<22xi32, #tpu.memory_space<smem>>) -> (i32, i32, i32) {
    %get3A = arith.index_cast %arg0 : i32 to index
    %get3A_0 = memref.load %arg1[%get3A] : memref<22xi32, #tpu.memory_space<smem>>
    %max3A = arith.constant 0 : i32
    %max3A_1 = arith.maxsi %get3A_0, %max3A : i32
    %c0_i32 = arith.constant 0 : i32
    %c0_i32_2 = arith.constant 0 : i32
    %c0_i32_3 = arith.constant 0 : i32
    return %max3A_1, %c0_i32, %c0_i32_2 : i32, i32, i32
  }
  func.func @transform_3(%arg0: i32, %arg1: memref<22xi32, #tpu.memory_space<smem>>) -> (i32, i32, i32) {
    %get3A = arith.index_cast %arg0 : i32 to index
    %get3A_0 = memref.load %arg1[%get3A] : memref<22xi32, #tpu.memory_space<smem>>
    %max3A = arith.constant 0 : i32
    %max3A_1 = arith.maxsi %get3A_0, %max3A : i32
    %c0_i32 = arith.constant 0 : i32
    %c0_i32_2 = arith.constant 0 : i32
    %c0_i32_3 = arith.constant 0 : i32
    return %max3A_1, %c0_i32, %c0_i32_2 : i32, i32, i32
  }
  func.func @transform_4(%arg0: i32, %arg1: memref<22xi32, #tpu.memory_space<smem>>) -> (i32, i32) {
    %c0_i32 = arith.constant 0 : i32
    %c0_i32_0 = arith.constant 0 : i32
    return %arg0, %c0_i32 : i32, i32
  }
}

module attributes {stable_mosaic.version = 14 : i64} {
  func.func @_mix_body(%arg0: i32, %arg1: memref<512x1024xf32, #tpu.memory_space<vmem>>, %arg2: memref<512x1024xf32, #tpu.memory_space<vmem>>, %arg3: memref<512x1xf32, #tpu.memory_space<vmem>>, %arg4: memref<512x1xf32, #tpu.memory_space<vmem>>, %arg5: memref<512x1024xf32, #tpu.memory_space<vmem>>) attributes {dimension_semantics = [#tpu.dimension_semantics<parallel>], iteration_bounds = array<i64: 4>, scalar_prefetch = 0 : i64, scratch_operands = 0 : i64, tpu.core_type = #tpu.core_type<tc>, window_params = [{transform_indices = @transform_0, window_bounds = array<i64: 512, 1024>}, {transform_indices = @transform_1, window_bounds = array<i64: 512, 1024>}, {transform_indices = @transform_2, window_bounds = array<i64: 512, 1>}, {transform_indices = @transform_3, window_bounds = array<i64: 512, 1>}, {transform_indices = @transform_4, window_bounds = array<i64: 512, 1024>}]} {
    %get3A = arith.constant 0 : index
    %get3A_0 = arith.constant 0 : index
    %get3A_1 = vector.load %arg3[%get3A, %get3A_0] : memref<512x1xf32, #tpu.memory_space<vmem>>, vector<512x1xf32>
    %get3A_2 = arith.constant 0 : index
    %get3A_3 = arith.constant 0 : index
    %get3A_4 = vector.load %arg1[%get3A_2, %get3A_3] : memref<512x1024xf32, #tpu.memory_space<vmem>>, vector<512x1024xf32>
    %mul3A = vector.broadcast %get3A_1 : vector<512x1xf32> to vector<512x1024xf32>
    %mul3A_5 = arith.mulf %mul3A, %get3A_4 : vector<512x1024xf32>
    %get3A_6 = arith.constant 0 : index
    %get3A_7 = arith.constant 0 : index
    %get3A_8 = vector.load %arg4[%get3A_6, %get3A_7] : memref<512x1xf32, #tpu.memory_space<vmem>>, vector<512x1xf32>
    %get3A_9 = arith.constant 0 : index
    %get3A_10 = arith.constant 0 : index
    %get3A_11 = vector.load %arg2[%get3A_9, %get3A_10] : memref<512x1024xf32, #tpu.memory_space<vmem>>, vector<512x1024xf32>
    %mul3A_12 = vector.broadcast %get3A_8 : vector<512x1xf32> to vector<512x1024xf32>
    %mul3A_13 = arith.mulf %mul3A_12, %get3A_11 : vector<512x1024xf32>
    %add3A = arith.addf %mul3A_5, %mul3A_13 : vector<512x1024xf32>
    %swap3A = arith.constant 0 : index
    %swap3A_14 = arith.constant 0 : index
    %swap3A_15 = vector.load %arg5[%swap3A, %swap3A_14] : memref<512x1024xf32, #tpu.memory_space<vmem>>, vector<512x1024xf32>
    tpu.vector_store %arg5[%swap3A, %swap3A_14], %add3A {strides = array<i32>} : memref<512x1024xf32, #tpu.memory_space<vmem>>, vector<512x1024xf32>,
    return
  }
  func.func @transform_0(%arg0: i32) -> (i32, i32) {
    %c0_i32 = arith.constant 0 : i32
    %c0_i32_0 = arith.constant 0 : i32
    return %arg0, %c0_i32 : i32, i32
  }
  func.func @transform_1(%arg0: i32) -> (i32, i32) {
    %c0_i32 = arith.constant 0 : i32
    %c0_i32_0 = arith.constant 0 : i32
    return %arg0, %c0_i32 : i32, i32
  }
  func.func @transform_2(%arg0: i32) -> (i32, i32) {
    %c0_i32 = arith.constant 0 : i32
    %c0_i32_0 = arith.constant 0 : i32
    return %arg0, %c0_i32 : i32, i32
  }
  func.func @transform_3(%arg0: i32) -> (i32, i32) {
    %c0_i32 = arith.constant 0 : i32
    %c0_i32_0 = arith.constant 0 : i32
    return %arg0, %c0_i32 : i32, i32
  }
  func.func @transform_4(%arg0: i32) -> (i32, i32) {
    %c0_i32 = arith.constant 0 : i32
    %c0_i32_0 = arith.constant 0 : i32
    return %arg0, %c0_i32 : i32, i32
  }
}

</mosaic_0001>

<sc_bundles>
// kernel: kernel.10.cloned.1.call-start
scs
__scs_entry_jumppad:
0x0: {  	(pc) =	sbr.rel $0x88, $3  }
0x1: {  	(tag) =	ssettag $0x0;
	lr =	simm.s32 $0x1  }
0x2: {  	[smem:$0x3F93] =	sst lr;
	_ =	strace $0xD0000000  }
0x3: {  	_ = 	snop  }
0x4: {  	_ = 	snop  }
0x5: {  	_ = 	snop  }
0x6: {  	_ = 	snop  }
0x7: {  	_ = 	snop  }
__scs_overlays_trampoline_lowered:
0x8: {  	[smem:$0x3FA2] =	sst s0  }
0x9: {  	[smem:$0x3FA3] =	sst s1  }
0xa: {  	[smem:$0x3FA4] =	sst s2  }
0xb: {  	[smem:$0x3FA5] =	sst s3  }
0xc: {  	[smem:$0x3FA6] =	sst s4  }
0xd: {  	[smem:$0x3FA7] =	sst s5  }
0xe: {  	[smem:$0x3FA8] =	sst s6  }
0xf: {  	[smem:$0x3FA9] =	sst s7  }
0x10: {  	[smem:$0x3FAA] =	sst s8  }
0x11: {  	[smem:$0x3FAB] =	sst s9;
	s0 =	simm.s32 @!p0 $0x0  }
0x12: {  	s1 =	sld [smem:$0x3F91];
	s0 =	simm.s32 @p0 $0x1  }
0x13: {  	[smem:$0x3FAC] =	sst s0;
	s0 =	simm.s32 @!p1 $0x0  }
0x14: {  	s2 =	sld [smem:$0x3F90];
	s0 =	simm.s32 @p1 $0x1  }
0x15: {  	[smem:$0x3FAD] =	sst s0;
	s0 =	simm.s32 @!p2 $0x0  }
0x16: {  	s3 =	sld [smem:$0x3FDB];
	s0 =	simm.s32 @p2 $0x1  }
0x17: {  	s4 =	simm.s32 $0x1BF5;
	[smem:$0x3FAF] =	sst s0  }
0x18: {  	s0 =	sld [smem:$0x3F92];
	_ =	swait.ge [sflag:s4], $0x0  }
0x19: {  	s7 =	sld [smem:$0x3F93]  }
0x1a: {  	s8 =	sadd.s32 $0xFFFFE003, lr  }
0x1b: {  	s9 =	sadd.s32 $0xFFFFFEF7, lr;
	s5 =	simm.s32 $0xFFFFFFFF;
	p2 =	slt.u32 s8, $0xFFFFF086  }
0x1c: {  	p1 =	slt.u32 s9, $0xF7A;
	s5 =	simm.s32 @!p2 $0x0  }
0x1d: {  	s5 =	simm.s32 @p1 $0x1;
	p0 =	seq.s32 s7, s2  }
0x1e: {  	s7 =	smul.u32 @!p0 $0xF7A, s2;
	p2 =	seq.s32 @!p0 s5, $0x0  }
0x1f: {  	s9 =	smul.u32 $0xF7A, s1;
	s8 =	simm.s32 @!p0 $0x1BF5;
	p2 =	por !p2, p0  }
0x20: {  	[sflag:s8] =	ssyncset.s32 @!p0 $0xFFFFF086;
	s6 =	sadd.s32 @!p0 s3, s7;
	s7 =	simm.s32 @!p0 $0x108  }
0x21: {  	s3 =	sadd.s32 s3, s9;
	s6 =	sadd.s32 @!p0 $0x88, s6;
	s7 =	simm.s32 @p2 $0x1082  }
0x22: {  	[simem:s7], [sflag:s8] =	dma.local @!p0 [hbm:s6], $0xF7A  }
0x23: {  	s9 =	sor.u32 $0xD0000000, s2;
	s6 =	simm.s32 $0x108;
	_ =	swait.ge @!p0 [sflag:s8], $0x0  }
0x24: {  	s3 =	sadd.s32 $0x88, s3;
	s6 =	simm.s32 @!p1 $0x1082;
	[sflag:s4] =	ssyncset.s32 $0xFFFFF086  }
0x25: {  	[simem:s6], [sflag:s4] =	dma.local [hbm:s3], $0xF7A  }
0x26: {  	[smem:$0x3F93] =	sst s1;
	(tag) =	ssettag s2;
	_ =	strace s9  }
0x27: {  	s1 =	sld [smem:$0x3FA3]  }
0x28: {  	s2 =	sld [smem:$0x3FA4]  }
0x29: {  	s4 =	sld [smem:$0x3FA6]  }
0x2a: {  	p0 =	seq.s32 s5, $0x0;
	s5 =	sld [smem:$0x3FA7]  }
0x2b: {  	s6 =	sld [smem:$0x3FA8]  }
0x2c: {  	s7 =	sld [smem:$0x3FA9]  }
0x2d: {  	s3 =	simm.s32 $0x108;
	s8 =	sld [smem:$0x3FAA]  }
0x2e: {  	s3 =	simm.s32 @!p0 $0x1082;
	s9 =	sld [smem:$0x3FAB]  }
0x2f: {  	lr =	sadd.s32 s0, s3;
	s0 =	sld [smem:$0x3FA2]  }
0x30: {  	s3 =	sld [smem:$0x3FA5]  }
0x31: {  	[smem:$0x3FAE] =	sst s10  }
0x32: {  	s10 =	sld [smem:$0x3FAC];
	_ =	sdelay $0x3  }
0x33: {  	p0 =	seq.s32 s10, $0x1;
	s10 =	sld [smem:$0x3FAE];
	_ =	sdelay $0x3  }
0x34: {  	[smem:$0x3FAE] =	sst s10  }
0x35: {  	s10 =	sld [smem:$0x3FAD];
	_ =	sdelay $0x3  }
0x36: {  	p1 =	seq.s32 s10, $0x1;
	s10 =	sld [smem:$0x3FAE];
	_ =	sdelay $0x3  }
0x37: {  	[smem:$0x3FAE] =	sst s10  }
0x38: {  	s10 =	sld [smem:$0x3FAF]  }
0x39: {  	_ = 	snop;
	(pc) =	sbr.ind lr, $3  }
0x3a: {  	_ = 	snop  }
0x3b: {  	_ = 	snop  }
0x3c: {  	p2 =	seq.s32 s10, $0x1;
	s10 =	sld [smem:$0x3FAE]  }
0x3d: {  	_ =	shalt  }
0x3e: {  	_ =	shalt  }
0x3f: {  	_ =	shalt  }
0x40: {  	_ =	shalt  }
0x41: {  	_ =	shalt  }
0x42: {  	_ =	shalt  }
0x43: {  	_ =	shalt  }
0x44: {  	_ =	shalt  }
0x45: {  	_ =	shalt  }
0x46: {  	_ =	shalt  }
0x47: {  	_ =	shalt  }
0x48: {  	_ =	shalt  }
0x49: {  	_ =	shalt  }
0x4a: {  	_ =	shalt  }
0x4b: {  	_ =	shalt  }
0x4c: {  	_ =	shalt  }
0x4d: {  	_ =	shalt  }
0x4e: {  	_ =	shalt  }
0x4f: {  	_ =	shalt  }
0x50: {  	_ =	shalt  }
0x51: {  	_ =	shalt  }
0x52: {  	_ =	shalt  }
0x53: {  	_ =	shalt  }
0x54: {  	_ =	shalt  }
0x55: {  	_ =	shalt  }
0x56: {  	_ =	shalt  }
0x57: {  	_ =	shalt  }
0x58: {  	_ =	shalt  }
0x59: {  	_ =	shalt  }
0x5a: {  	_ =	shalt  }
0x5b: {  	_ =	shalt  }
0x5c: {  	_ =	shalt  }
0x5d: {  	_ =	shalt  }
0x5e: {  	_ =	shalt  }
0x5f: {  	_ =	shalt  }
0x60: {  	_ =	shalt  }
0x61: {  	_ =	shalt  }
0x62: {  	_ =	shalt  }
0x63: {  	_ =	shalt  }
0x64: {  	_ =	shalt  }
0x65: {  	_ =	shalt  }
0x66: {  	_ =	shalt  }
0x67: {  	_ =	shalt  }
0x68: {  	_ =	shalt  }
0x69: {  	_ =	shalt  }
0x6a: {  	_ =	shalt  }
0x6b: {  	_ =	shalt  }
0x6c: {  	_ =	shalt  }
0x6d: {  	_ =	shalt  }
0x6e: {  	_ =	shalt  }
0x6f: {  	_ =	shalt  }
0x70: {  	_ =	shalt  }
0x71: {  	_ =	shalt  }
0x72: {  	_ =	shalt  }
0x73: {  	_ =	shalt  }
0x74: {  	_ =	shalt  }
0x75: {  	_ =	shalt  }
0x76: {  	_ =	shalt  }
0x77: {  	_ =	shalt  }
0x78: {  	_ =	shalt  }
0x79: {  	_ =	shalt  }
0x7a: {  	_ =	shalt  }
0x7b: {  	_ =	shalt  }
0x7c: {  	_ =	shalt  }
0x7d: {  	_ =	shalt  }
0x7e: {  	_ =	shalt  }
0x7f: {  	_ =	shalt  }
0x80: {  	_ =	shalt  }
0x81: {  	_ =	shalt  }
0x82: {  	_ =	shalt  }
0x83: {  	_ =	shalt  }
0x84: {  	_ =	shalt  }
0x85: {  	_ =	shalt  }
0x86: {  	_ =	shalt  }
0x87: {  	_ =	shalt  }
.Lfunc_end0:
.L_simem_size_0:
called_computation.1_lowered:
.L_overlay_start_0:
0x88: {  	s2 =	sld [smem:$0x3FD9]  }
0x89: {  	s3 =	sld [smem:$0x3FFE];
	_ =	sdelay $0x1  }
0x8a: {  	s1 =	srdreg.scid  }
0x8b: {  	s0 =	sand.u32 $0x1, s1  }
0x8c: {  	s14 =	sshll.u32 s0, $0xA;
	s2 =	sadd.s32 s3, s2  }
0x8d: {  	s2 =	sadd.s32 s2, s14  }
0x8e: {  	[smem:$0x3FBA] =	sst s2  }
0x8f: {  	_ = 	snop  }
0x90: {  	s2 =	sld [smem:$0x3FD0];
	_ =	sdelay $0x2  }
0x91: {  	s15 =	simm.s32 $0xA;
	s4 =	simm.s32 $0x10  }
0x92: {  	[smem:s4], [sflag:s15] =	dma.local [hbm:s2], $0x1  }
0x93: {  	_ =	swait.eq [sflag:s15], $0x1  }
0x94: {  	[sflag:s15] =	ssyncset.done $0x0  }
0x95: {  	[sflag:s15] =	ssyncadd.s32 $0xFFFFFFFF  }
0x96: {  	s16 =	sld [smem:$0x10];
	(tm) =	ssettm $0x1  }
0x97: {  	s17 =	sld [smem:$0x3FFB];
	_ =	sdelay $0x3  }
0x98: {  	_ =	strace s17  }
0x99: {  	s3 =	sld [smem:$0x3FFC];
	_ =	sdelay $0x3  }
0x9a: {  	_ =	strace s3  }
0x9b: {  	s3 =	sld [smem:$0x3FFD];
	_ =	sdelay $0x3  }
0x9c: {  	_ =	strace s3  }
0x9d: {  	_ =	strace $0x8FFFFFFF  }
0x9e: {  	s18 =	sld [smem:$0x3FDB];
	_ =	sdelay $0x1  }
0x9f: {  	s19 =	simm.s32 $_scs_section_size  }
0xa0: {  	s5 =	simm.s32 $_size__tile_overlayer_lowered;
	s6 =	simm.s32 $_tile_overlayer_lowered  }
0xa1: {  	s22 =	simm.s32 $0x1BFF;
	s21 =	sshll.u32 s6, $0x1;
	s3 =	sadd.s32 s19, s18  }
0xa2: {  	s7 =	simm.s32 $0x0;
	s20 =	sshll.u32 s5, $0x1;
	s5 =	sadd.s32 s21, s3  }
0xa3: {  	[timem:s7], [sflag:s22] =	dma.local [hbm:s5], s20  }
0xa4: {  	_ =	swait.ge [sflag:s22], s20  }
0xa5: {  	s4 =	ssub.s32 $0x0, s20;
	[sflag:s22] =	ssyncset.done $0x0  }
0xa6: {  	[sflag:s22] =	ssyncadd.s32 s4;
	_ =	sdelay $0x1  }
0xa7: {  	s23 =	simm.s32 $0x1B8B  }
0xa8: {  	_ =	swait.ge [sflag:s23], $0x1  }
0xa9: {  	[sflag:s23] =	ssyncset.done $0x0  }
0xaa: {  	s25 =	simm.s32 $0x1B8E;
	s24 =	sld [smem:$0x3FFE];
	[sflag:s23] =	ssyncadd.s32 $0xFFFFFFFF  }
0xab: {  	s26 =	simm.s32 $execute0_lowered;
	[smem:$0x3FD2] =	sst s25  }
0xac: {  	s5 =	sshll.u32 s26, $0x1;
	_ =	strace $0x80000049;
	[dreg:$0x1] =	wrdreg $0xFFFFFFFF  }
0xad: {  	s28 =	simm.s32 $_size_execute0_lowered;
	s3 =	sadd.s32 s3, s5;
	[dreg:$0x0] =	wrdreg $0x0  }
0xae: {  	s5 =	sshll.u32 s28, $0x1;
	[dreg:$0x2] =	wrdreg s3  }
0xaf: {  	[dreg:$0x3] =	wrdreg s5  }
0xb0: {  	[dreg:$0x4] =	wrdreg $0xC0  }
0xb1: {  	_ =	task [dreg:s7], $0x5FFFF  }
0xb2: {  	[dreg:$0x1] =	wrdreg $0xFFFFFFFF  }
0xb3: {  	[dreg:$0x0] =	wrdreg $0x60  }
0xb4: {  	[dreg:$0x2] =	wrdreg s24  }
0xb5: {  	[dreg:$0x3] =	wrdreg s16  }
0xb6: {  	[dreg:$0x4] =	wrdreg $0x9  }
0xb7: {  	_ =	task.clear_ibuf [dreg:s7], $0x5FFFF;
	_ =	strace $0x90000049  }
0xb8: {  	s29 =	simm.s32 $0x9;
	_ =	strace $0x8000004B  }
0xb9: {  	_ =	swait.ge [sflag:s29], $0x1  }
0xba: {  	[sflag:s29] =	ssyncadd.s32 $0xFFFFFFFF  }
0xbb: {  	_ =	strace $0x9000004B  }
0xbc: {  	_ =	sfence  }
0xbd: {  	s30 =	sld [smem:$0x0];
	_ =	sdelay $0x2  }
0xbe: {  	s31 =	sshll.u32 s1, $0xD;
	s1 =	sshrl.u32 s1, $0x2  }
0xbf: {  	s3 =	sand.u32 $0x4000, s31;
	s1 =	sadd.s32 s1, s30  }
0xc0: {  	s0 =	sor.u32 s3, s0;
	s1 =	sshll.u32 s1, $0x11  }
0xc1: {  	s0 =	sor.u32 s1, s0  }
0xc2: {  	s0 =	sadd.s32 $0x8F2B, s0  }
0xc3: {  	[sflag:s0] =	ssyncadd.remote.s32 $0x1  }
0xc4: {  	_ =	sfence.sel $0xFFFF  }
0xc5: {  	[dreg:$0x0] =	wrdreg $0xFFFFFFFF;
	(pc) =	sbr.abs _section_cstart, $3  }
0xc6: {  	[dreg:$0x1] =	wrdreg $0xFFFFFFFF  }
0xc7: {  	_ =	task.clear_ibuf [dreg:s7], $0x2FFFF;
	_ =	strace $0x9FFFFFFF  }
0xc8: {  	(tm) =	ssettm $0x7FFFFFFF  }
0xc9: {  	_ =	shalt  }
tec
execute0_lowered:
.L_overlay_start_1:
0x0: {  	(tag) =	ssettag $0x1  }
0x1: {  	s0 =	rddreg [dreg:$0x0]  }
0x2: {  	s2 =	rddreg [dreg:$0x1];
	s1 =	simm.s32 $0x0;
	s4 =	srdreg.scid  }
0x3: {  	s7 =	stileid.u32;
	s24 =	simm.s32 $0x10000;
	s26 =	simm.s32 $0x10080  }
0x4: {  	s16 =	simm.s32 $0x1;
	s19 =	simm.s32 $0x1000;
	s20 =	simm.s32 $0x1800  }
0x5: {  	s21 =	simm.s32 $0x2000;
	s28 =	simm.s32 $0x5000;
	s29 =	simm.s32 $0x5800  }
0x6: {  	s30 =	simm.s32 $0x6000;
	s31 =	simm.s32 $0x6800;
	s12 =	simm.s32 $0x9800  }
0x7: {  	s13 =	simm.s32 $0xA000;
	s14 =	simm.s32 $0xA800;
	s15 =	simm.s32 $0xB000  }
0x8: {  	[smem:$0x7FF] =	sst s1;
	s3 =	sadd.s32 $0xB0200, s0;
	s4 =	sand.u32 $0x1, s4  }
0x9: {  	s5 =	sshll.u32 s7, $0xE;
	s7 =	sshll.u32 s7, $0x5;
	s11 =	sadd.s32 $0x10, s0  }
0xa: {  	_ =	strace $0x8000004A;
	s6 =	sshll.u32 s4, $0x3;
	[dreg:$0x6] =	wrdreg s24  }
0xb: {  	s8 =	sshll.u32 s4, $0xD;
	s4 =	ssub.s32 $0x2, s4;
	[dreg:$0x8] =	wrdreg s26  }
0xc: {  	s24 =	simm.s32 $0x3800;
	s26 =	simm.s32 $0x4800;
	s9 =	sor.u32 s6, s7  }
0xd: {  	s5 =	sor.u32 s8, s5;
	s22 =	sshrl.u32 s4, $0x1;
	s6 =	sadd.s32 $0xB0500, s0  }
0xe: {  	s7 =	sadd.s32 s0, s9;
	s8 =	sadd.s32 s5, s0;
	s10 =	ssub.s32 s4, s22  }
0xf: {  	s4 =	sadd.s32 $0xB0300, s0;
	s2 =	sadd.s32 s2, s5;
	s5 =	sadd.s32 $0xB0400, s0  }
0x10: {  	s25 =	sadd.s32 s9, s11;
	s22 =	simm.s32 $0x2800;
	[dreg:$0x3] =	wrdreg s7  }
0x11: {  	s9 =	simm.s32 $0x8000;
	s11 =	simm.s32 $0x9000;
	[dreg:$0x4] =	wrdreg s2  }
0x12: {  	v2 =	vlaneseq.u32;
	s23 =	sadd.s32 $0x200, s8;
	s7 =	smax.u32 s10, $0x1;
	s8 =	simm.s32 $0x2  }
0x13: {  	vm0 =	vmmov $0xffff;
	v1 =	vshrl.u32 v2, $0x3;
	[dreg:$0x7] =	wrdreg s25;
	s25 =	simm.s32 $0x4000;
	s2 =	simm.s32 $0x7800  }
0x14: {  	v0 =	vand.u32 $0x7, v2;
	v2 =	vor.u32 $0x8, v2;
	v1 =	vmul.u32 $0x8, v1;
	s10 =	simm.s32 $0x8800;
	[dreg:$0x5] =	wrdreg s23;
	s23 =	simm.s32 $0x3000  }
.LBB2_1:
0x15: {  	s17 =	rddreg [dreg:$0x3]  }
0x16: {  	s18 =	rddreg [dreg:$0x6]  }
0x17: {  	[tilespmem:s18], [sflag:$0x2] =	stream.linear.gather [hbm4b:s17+s1], $0x40, $0x38;
	[tilespmem:$0x10100] =	vst v63  }
0x18: {  	_ =	swait.ge [sflag:s8], $0x40  }
0x19: {  	s18 =	rddreg [dreg:$0x7];
	[sflag:s8] =	ssyncset.done $0x0  }
0x1a: {  	s0 =	rddreg [dreg:$0x8];
	[sflag:s8] =	ssyncadd.s32 $0xFFFFFFC0  }
0x1b: {  	[tilespmem:s0], [sflag:$0x2] =	stream.linear.gather [hbm4b:s18+s1], $0x40, $0x38;
	[tilespmem:$0x10100] =	vst v63  }
0x1c: {  	_ =	swait.ge [sflag:s8], $0x40  }
0x1d: {  	[sflag:s8] =	ssyncset.done $0x0  }
0x1e: {  	[sflag:s8] =	ssyncadd.s32 $0xFFFFFFC0  }
0x1f: {  	v3 =	vld [tilespmem:$0x10000];
	_ =	sdelay $0x4  }
0x20: {  	v4 =	vshll.u32 v3, $0x3  }
0x21: {  	v3 =	vand.u32 $0x7, v3;
	v4 =	vand.u32 $0xFFFFFFC0, v4  }
0x22: {  	v3 =	vor.u32 v3, v4  }
0x23: {  	v4 =	vperm.xlane v3, v0;
	_ =	sdelay $0x1  }
0x24: {  	v4 =	vadd.s32 v1, v4;
	_ =	sdelay $0x4  }
0x25: {  	[tilespmem:s1], [sflag:$0x1] =	stream.indirect_vreg.gather [hbm4b:s3+s1], $0x80, v4, vm0, $0xb8;
	[tilespmem:$0x10100] =	vst v63  }
0x26: {  	s18 =	simm.s32 $0x800;
	v3 =	vperm.xlane v3, v2  }
0x27: {  	[tilespmem:s18], [sflag:$0x1] =	stream.indirect_vreg.gather [hbm4b:s4+s1], $0x80, v4, vm0, $0xb8;
	[tilespmem:$0x10100] =	vst v63  }
0x28: {  	v3 =	vadd.s32 v1, v3  }
0x29: {  	[tilespmem:s19], [sflag:$0x1] =	stream.indirect_vreg.gather [hbm4b:s5+s1], $0x80, v4, vm0, $0xb8;
	[tilespmem:$0x10100] =	vst v63  }
0x2a: {  	_ = 	snop  }
0x2b: {  	[tilespmem:s20], [sflag:$0x1] =	stream.indirect_vreg.gather [hbm4b:s6+s1], $0x80, v4, vm0, $0xb8;
	[tilespmem:$0x10100] =	vst v63  }
0x2c: {  	_ = 	snop  }
0x2d: {  	[tilespmem:s21], [sflag:$0x1] =	stream.indirect_vreg.gather [hbm4b:s3+s1], $0x80, v3, vm0, $0xb8;
	[tilespmem:$0x10100] =	vst v63  }
0x2e: {  	_ = 	snop  }
0x2f: {  	[tilespmem:s22], [sflag:$0x1] =	stream.indirect_vreg.gather [hbm4b:s4+s1], $0x80, v3, vm0, $0xb8;
	[tilespmem:$0x10100] =	vst v63  }
0x30: {  	_ = 	snop  }
0x31: {  	[tilespmem:s23], [sflag:$0x1] =	stream.indirect_vreg.gather [hbm4b:s5+s1], $0x80, v3, vm0, $0xb8;
	[tilespmem:$0x10100] =	vst v63  }
0x32: {  	_ = 	snop  }
0x33: {  	[tilespmem:s24], [sflag:$0x1] =	stream.indirect_vreg.gather [hbm4b:s6+s1], $0x80, v3, vm0, $0xb8;
	[tilespmem:$0x10100] =	vst v63  }
0x34: {  	v3 =	vld [tilespmem:$0x10010];
	_ =	sdelay $0x4  }
0x35: {  	v57 =	vshll.u32 v3, $0x3  }
0x36: {  	v3 =	vand.u32 $0x7, v3;
	v4 =	vand.u32 $0xFFFFFFC0, v57  }
0x37: {  	v3 =	vor.u32 v3, v4  }
0x38: {  	v4 =	vperm.xlane v3, v0;
	_ =	sdelay $0x1  }
0x39: {  	v4 =	vadd.s32 v1, v4;
	_ =	sdelay $0x4  }
0x3a: {  	[tilespmem:s25], [sflag:$0x1] =	stream.indirect_vreg.gather [hbm4b:s3+s1], $0x80, v4, vm0, $0xb8;
	[tilespmem:$0x10100] =	vst v63  }
0x3b: {  	v3 =	vperm.xlane v3, v2  }
0x3c: {  	[tilespmem:s26], [sflag:$0x1] =	stream.indirect_vreg.gather [hbm4b:s4+s1], $0x80, v4, vm0, $0xb8;
	[tilespmem:$0x10100] =	vst v63  }
0x3d: {  	v3 =	vadd.s32 v1, v3  }
0x3e: {  	[tilespmem:s28], [sflag:$0x1] =	stream.indirect_vreg.gather [hbm4b:s5+s1], $0x80, v4, vm0, $0xb8;
	[tilespmem:$0x10100] =	vst v63  }
0x3f: {  	_ = 	snop  }
0x40: {  	[tilespmem:s29], [sflag:$0x1] =	stream.indirect_vreg.gather [hbm4b:s6+s1], $0x80, v4, vm0, $0xb8;
	[tilespmem:$0x10100] =	vst v63  }
0x41: {  	_ = 	snop  }
0x42: {  	[tilespmem:s30], [sflag:$0x1] =	stream.indirect_vreg.gather [hbm4b:s3+s1], $0x80, v3, vm0, $0xb8;
	[tilespmem:$0x10100] =	vst v63  }
0x43: {  	_ = 	snop  }
0x44: {  	[tilespmem:s31], [sflag:$0x1] =	stream.indirect_vreg.gather [hbm4b:s4+s1], $0x80, v3, vm0, $0xb8;
	[tilespmem:$0x10100] =	vst v63  }
0x45: {  	s0 =	simm.s32 $0x7000  }
0x46: {  	[tilespmem:s0], [sflag:$0x1] =	stream.indirect_vreg.gather [hbm4b:s5+s1], $0x80, v3, vm0, $0xb8;
	[tilespmem:$0x10100] =	vst v63  }
0x47: {  	_ = 	snop  }
0x48: {  	[tilespmem:s2], [sflag:$0x1] =	stream.indirect_vreg.gather [hbm4b:s6+s1], $0x80, v3, vm0, $0xb8;
	[tilespmem:$0x10100] =	vst v63  }
0x49: {  	v3 =	vld [tilespmem:$0x10020];
	_ =	sdelay $0x4  }
0x4a: {  	v58 =	vshll.u32 v3, $0x3  }
0x4b: {  	v3 =	vand.u32 $0x7, v3;
	v4 =	vand.u32 $0xFFFFFFC0, v58  }
0x4c: {  	v3 =	vor.u32 v3, v4  }
0x4d: {  	v4 =	vperm.xlane v3, v0;
	_ =	sdelay $0x1  }
0x4e: {  	v4 =	vadd.s32 v1, v4;
	_ =	sdelay $0x4  }
0x4f: {  	[tilespmem:s9], [sflag:$0x1] =	stream.indirect_vreg.gather [hbm4b:s3+s1], $0x80, v4, vm0, $0xb8;
	[tilespmem:$0x10100] =	vst v63  }
0x50: {  	v3 =	vperm.xlane v3, v2  }
0x51: {  	[tilespmem:s10], [sflag:$0x1] =	stream.indirect_vreg.gather [hbm4b:s4+s1], $0x80, v4, vm0, $0xb8;
	[tilespmem:$0x10100] =	vst v63  }
0x52: {  	v3 =	vadd.s32 v1, v3  }
0x53: {  	[tilespmem:s11], [sflag:$0x1] =	stream.indirect_vreg.gather [hbm4b:s5+s1], $0x80, v4, vm0, $0xb8;
	[tilespmem:$0x10100] =	vst v63  }
0x54: {  	_ = 	snop  }
0x55: {  	[tilespmem:s12], [sflag:$0x1] =	stream.indirect_vreg.gather [hbm4b:s6+s1], $0x80, v4, vm0, $0xb8;
	[tilespmem:$0x10100] =	vst v63  }
0x56: {  	_ = 	snop  }
0x57: {  	[tilespmem:s13], [sflag:$0x1] =	stream.indirect_vreg.gather [hbm4b:s3+s1], $0x80, v3, vm0, $0xb8;
	[tilespmem:$0x10100] =	vst v63  }
0x58: {  	_ = 	snop  }
0x59: {  	[tilespmem:s14], [sflag:$0x1] =	stream.indirect_vreg.gather [hbm4b:s4+s1], $0x80, v3, vm0, $0xb8;
	[tilespmem:$0x10100] =	vst v63  }
0x5a: {  	_ = 	snop  }
0x5b: {  	[tilespmem:s15], [sflag:$0x1] =	stream.indirect_vreg.gather [hbm4b:s5+s1], $0x80, v3, vm0, $0xb8;
	[tilespmem:$0x10100] =	vst v63  }
0x5c: {  	s17 =	simm.s32 $0xB800  }
0x5d: {  	[tilespmem:s17], [sflag:$0x1] =	stream.indirect_vreg.gather [hbm4b:s6+s1], $0x80, v3, vm0, $0xb8;
	[tilespmem:$0x10100] =	vst v63  }
0x5e: {  	v3 =	vld [tilespmem:$0x10030];
	_ =	sdelay $0x4  }
0x5f: {  	v59 =	vshll.u32 v3, $0x3  }
0x60: {  	v3 =	vand.u32 $0x7, v3;
	v4 =	vand.u32 $0xFFFFFFC0, v59  }
0x61: {  	v3 =	vor.u32 v3, v4  }
0x62: {  	v4 =	vperm.xlane v3, v0;
	_ =	sdelay $0x1  }
0x63: {  	v4 =	vadd.s32 v1, v4;
	_ =	sdelay $0x3  }
0x64: {  	s17 =	simm.s32 $0xC000  }
0x65: {  	[tilespmem:s17], [sflag:$0x1] =	stream.indirect_vreg.gather [hbm4b:s3+s1], $0x80, v4, vm0, $0xb8;
	[tilespmem:$0x10100] =	vst v63  }
0x66: {  	v3 =	vperm.xlane v3, v2;
	s17 =	simm.s32 $0xC800  }
0x67: {  	[tilespmem:s17], [sflag:$0x1] =	stream.indirect_vreg.gather [hbm4b:s4+s1], $0x80, v4, vm0, $0xb8;
	[tilespmem:$0x10100] =	vst v63  }
0x68: {  	v3 =	vadd.s32 v1, v3;
	s17 =	simm.s32 $0xD000  }
0x69: {  	[tilespmem:s17], [sflag:$0x1] =	stream.indirect_vreg.gather [hbm4b:s5+s1], $0x80, v4, vm0, $0xb8;
	[tilespmem:$0x10100] =	vst v63  }
0x6a: {  	s17 =	simm.s32 $0xD800  }
0x6b: {  	[tilespmem:s17], [sflag:$0x1] =	stream.indirect_vreg.gather [hbm4b:s6+s1], $0x80, v4, vm0, $0xb8;
	[tilespmem:$0x10100] =	vst v63  }
0x6c: {  	s17 =	simm.s32 $0xE000  }
0x6d: {  	[tilespmem:s17], [sflag:$0x1] =	stream.indirect_vreg.gather [hbm4b:s3+s1], $0x80, v3, vm0, $0xb8;
	[tilespmem:$0x10100] =	vst v63  }
0x6e: {  	s17 =	simm.s32 $0xE800  }
0x6f: {  	[tilespmem:s17], [sflag:$0x1] =	stream.indirect_vreg.gather [hbm4b:s4+s1], $0x80, v3, vm0, $0xb8;
	[tilespmem:$0x10100] =	vst v63  }
0x70: {  	s17 =	simm.s32 $0xF000  }
0x71: {  	[tilespmem:s17], [sflag:$0x1] =	stream.indirect_vreg.gather [hbm4b:s5+s1], $0x80, v3, vm0, $0xb8;
	[tilespmem:$0x10100] =	vst v63  }
0x72: {  	s17 =	simm.s32 $0xF800  }
0x73: {  	[tilespmem:s17], [sflag:$0x1] =	stream.indirect_vreg.gather [hbm4b:s6+s1], $0x80, v3, vm0, $0xb8;
	[tilespmem:$0x10100] =	vst v63  }
0x74: {  	_ =	swait.ge [sflag:s16], $0x10000  }
0x75: {  	[sflag:s16] =	ssyncset.done $0x0  }
0x76: {  	s17 =	rddreg [dreg:$0x4];
	[sflag:s16] =	ssyncadd.s32 $0xFFFF0000  }
0x77: {  	[hbm4b:s17+s1] =	stream.linear.scatter [tilespmem:s1], [sflag:$0x2], $0x10000, $0x38;
	[tilespmem:$0x10100] =	vst v63  }
0x78: {  	_ =	swait.ge [sflag:s8], $0x10000  }
0x79: {  	[sflag:s8] =	ssyncset.done $0x0  }
0x7a: {  	[sflag:s8] =	ssyncadd.s32 $0xFFFF0000  }
0x7b: {  	v3 =	vld [tilespmem:$0x10080];
	_ =	sdelay $0x4  }
0x7c: {  	v60 =	vshll.u32 v3, $0x3  }
0x7d: {  	v3 =	vand.u32 $0x7, v3;
	v4 =	vand.u32 $0xFFFFFFC0, v60  }
0x7e: {  	v3 =	vor.u32 v3, v4  }
0x7f: {  	v4 =	vperm.xlane v3, v0;
	_ =	sdelay $0x1  }
0x80: {  	v4 =	vadd.s32 v1, v4;
	_ =	sdelay $0x4  }
0x81: {  	[tilespmem:s1], [sflag:$0x1] =	stream.indirect_vreg.gather [hbm4b:s3+s1], $0x80, v4, vm0, $0xb8;
	[tilespmem:$0x10100] =	vst v63  }
0x82: {  	v3 =	vperm.xlane v3, v2  }
0x83: {  	[tilespmem:s18], [sflag:$0x1] =	stream.indirect_vreg.gather [hbm4b:s4+s1], $0x80, v4, vm0, $0xb8;
	[tilespmem:$0x10100] =	vst v63  }
0x84: {  	v3 =	vadd.s32 v1, v3  }
0x85: {  	[tilespmem:s19], [sflag:$0x1] =	stream.indirect_vreg.gather [hbm4b:s5+s1], $0x80, v4, vm0, $0xb8;
	[tilespmem:$0x10100] =	vst v63  }
0x86: {  	_ = 	snop  }
0x87: {  	[tilespmem:s20], [sflag:$0x1] =	stream.indirect_vreg.gather [hbm4b:s6+s1], $0x80, v4, vm0, $0xb8;
	[tilespmem:$0x10100] =	vst v63  }
0x88: {  	_ = 	snop  }
0x89: {  	[tilespmem:s21], [sflag:$0x1] =	stream.indirect_vreg.gather [hbm4b:s3+s1], $0x80, v3, vm0, $0xb8;
	[tilespmem:$0x10100] =	vst v63  }
0x8a: {  	_ = 	snop  }
0x8b: {  	[tilespmem:s22], [sflag:$0x1] =	stream.indirect_vreg.gather [hbm4b:s4+s1], $0x80, v3, vm0, $0xb8;
	[tilespmem:$0x10100] =	vst v63  }
0x8c: {  	_ = 	snop  }
0x8d: {  	[tilespmem:s23], [sflag:$0x1] =	stream.indirect_vreg.gather [hbm4b:s5+s1], $0x80, v3, vm0, $0xb8;
	[tilespmem:$0x10100] =	vst v63  }
0x8e: {  	_ = 	snop  }
0x8f: {  	[tilespmem:s24], [sflag:$0x1] =	stream.indirect_vreg.gather [hbm4b:s6+s1], $0x80, v3, vm0, $0xb8;
	[tilespmem:$0x10100] =	vst v63  }
0x90: {  	v3 =	vld [tilespmem:$0x10090];
	_ =	sdelay $0x4  }
0x91: {  	v61 =	vshll.u32 v3, $0x3  }
0x92: {  	v3 =	vand.u32 $0x7, v3;
	v4 =	vand.u32 $0xFFFFFFC0, v61  }
0x93: {  	v3 =	vor.u32 v3, v4  }
0x94: {  	v4 =	vperm.xlane v3, v0;
	_ =	sdelay $0x1  }
0x95: {  	v4 =	vadd.s32 v1, v4;
	_ =	sdelay $0x4  }
0x96: {  	[tilespmem:s25], [sflag:$0x1] =	stream.indirect_vreg.gather [hbm4b:s3+s1], $0x80, v4, vm0, $0xb8;
	[tilespmem:$0x10100] =	vst v63  }
0x97: {  	v3 =	vperm.xlane v3, v2  }
0x98: {  	[tilespmem:s26], [sflag:$0x1] =	stream.indirect_vreg.gather [hbm4b:s4+s1], $0x80, v4, vm0, $0xb8;
	[tilespmem:$0x10100] =	vst v63  }
0x99: {  	v3 =	vadd.s32 v1, v3  }
0x9a: {  	[tilespmem:s28], [sflag:$0x1] =	stream.indirect_vreg.gather [hbm4b:s5+s1], $0x80, v4, vm0, $0xb8;
	[tilespmem:$0x10100] =	vst v63  }
0x9b: {  	_ = 	snop  }
0x9c: {  	[tilespmem:s29], [sflag:$0x1] =	stream.indirect_vreg.gather [hbm4b:s6+s1], $0x80, v4, vm0, $0xb8;
	[tilespmem:$0x10100] =	vst v63  }
0x9d: {  	_ = 	snop  }
0x9e: {  	[tilespmem:s30], [sflag:$0x1] =	stream.indirect_vreg.gather [hbm4b:s3+s1], $0x80, v3, vm0, $0xb8;
	[tilespmem:$0x10100] =	vst v63  }
0x9f: {  	_ = 	snop  }
0xa0: {  	[tilespmem:s31], [sflag:$0x1] =	stream.indirect_vreg.gather [hbm4b:s4+s1], $0x80, v3, vm0, $0xb8;
	[tilespmem:$0x10100] =	vst v63  }
0xa1: {  	_ = 	snop  }
0xa2: {  	[tilespmem:s0], [sflag:$0x1] =	stream.indirect_vreg.gather [hbm4b:s5+s1], $0x80, v3, vm0, $0xb8;
	[tilespmem:$0x10100] =	vst v63  }
0xa3: {  	_ = 	snop  }
0xa4: {  	[tilespmem:s2], [sflag:$0x1] =	stream.indirect_vreg.gather [hbm4b:s6+s1], $0x80, v3, vm0, $0xb8;
	[tilespmem:$0x10100] =	vst v63  }
0xa5: {  	v3 =	vld [tilespmem:$0x100A0];
	_ =	sdelay $0x4  }
0xa6: {  	v62 =	vshll.u32 v3, $0x3  }
0xa7: {  	v3 =	vand.u32 $0x7, v3;
	v4 =	vand.u32 $0xFFFFFFC0, v62  }
0xa8: {  	v3 =	vor.u32 v3, v4  }
0xa9: {  	v4 =	vperm.xlane v3, v0;
	_ =	sdelay $0x1  }
0xaa: {  	v4 =	vadd.s32 v1, v4;
	_ =	sdelay $0x4  }
0xab: {  	[tilespmem:s9], [sflag:$0x1] =	stream.indirect_vreg.gather [hbm4b:s3+s1], $0x80, v4, vm0, $0xb8;
	[tilespmem:$0x10100] =	vst v63  }
0xac: {  	v3 =	vperm.xlane v3, v2  }
0xad: {  	[tilespmem:s10], [sflag:$0x1] =	stream.indirect_vreg.gather [hbm4b:s4+s1], $0x80, v4, vm0, $0xb8;
	[tilespmem:$0x10100] =	vst v63  }
0xae: {  	v3 =	vadd.s32 v1, v3  }
0xaf: {  	[tilespmem:s11], [sflag:$0x1] =	stream.indirect_vreg.gather [hbm4b:s5+s1], $0x80, v4, vm0, $0xb8;
	[tilespmem:$0x10100] =	vst v63  }
0xb0: {  	_ = 	snop  }
0xb1: {  	[tilespmem:s12], [sflag:$0x1] =	stream.indirect_vreg.gather [hbm4b:s6+s1], $0x80, v4, vm0, $0xb8;
	[tilespmem:$0x10100] =	vst v63  }
0xb2: {  	_ = 	snop  }
0xb3: {  	[tilespmem:s13], [sflag:$0x1] =	stream.indirect_vreg.gather [hbm4b:s3+s1], $0x80, v3, vm0, $0xb8;
	[tilespmem:$0x10100] =	vst v63  }
0xb4: {  	_ = 	snop  }
0xb5: {  	[tilespmem:s14], [sflag:$0x1] =	stream.indirect_vreg.gather [hbm4b:s4+s1], $0x80, v3, vm0, $0xb8;
	[tilespmem:$0x10100] =	vst v63  }
0xb6: {  	_ = 	snop  }
0xb7: {  	[tilespmem:s15], [sflag:$0x1] =	stream.indirect_vreg.gather [hbm4b:s5+s1], $0x80, v3, vm0, $0xb8;
	[tilespmem:$0x10100] =	vst v63  }
0xb8: {  	s17 =	simm.s32 $0xB800  }
0xb9: {  	[tilespmem:s17], [sflag:$0x1] =	stream.indirect_vreg.gather [hbm4b:s6+s1], $0x80, v3, vm0, $0xb8;
	[tilespmem:$0x10100] =	vst v63  }
0xba: {  	v3 =	vld [tilespmem:$0x100B0];
	_ =	sdelay $0x4  }
0xbb: {  	v63 =	vshll.u32 v3, $0x3  }
0xbc: {  	v3 =	vand.u32 $0x7, v3;
	v4 =	vand.u32 $0xFFFFFFC0, v63  }
0xbd: {  	v3 =	vor.u32 v3, v4  }
0xbe: {  	v4 =	vperm.xlane v3, v0;
	_ =	sdelay $0x1  }
0xbf: {  	v4 =	vadd.s32 v1, v4;
	_ =	sdelay $0x3  }
0xc0: {  	s18 =	simm.s32 $0xC000  }
0xc1: {  	[tilespmem:s18], [sflag:$0x1] =	stream.indirect_vreg.gather [hbm4b:s3+s1], $0x80, v4, vm0, $0xb8;
	[tilespmem:$0x10100] =	vst v63  }
0xc2: {  	s17 =	simm.s32 $0xC800;
	v3 =	vperm.xlane v3, v2  }
0xc3: {  	[tilespmem:s17], [sflag:$0x1] =	stream.indirect_vreg.gather [hbm4b:s4+s1], $0x80, v4, vm0, $0xb8;
	[tilespmem:$0x10100] =	vst v63  }
0xc4: {  	v3 =	vadd.s32 v1, v3;
	s18 =	simm.s32 $0xD000  }
0xc5: {  	[tilespmem:s18], [sflag:$0x1] =	stream.indirect_vreg.gather [hbm4b:s5+s1], $0x80, v4, vm0, $0xb8;
	[tilespmem:$0x10100] =	vst v63  }
0xc6: {  	s17 =	simm.s32 $0xD800  }
0xc7: {  	[tilespmem:s17], [sflag:$0x1] =	stream.indirect_vreg.gather [hbm4b:s6+s1], $0x80, v4, vm0, $0xb8;
	[tilespmem:$0x10100] =	vst v63  }
0xc8: {  	s18 =	simm.s32 $0xE000  }
0xc9: {  	[tilespmem:s18], [sflag:$0x1] =	stream.indirect_vreg.gather [hbm4b:s3+s1], $0x80, v3, vm0, $0xb8;
	[tilespmem:$0x10100] =	vst v63  }
0xca: {  	s17 =	simm.s32 $0xE800  }
0xcb: {  	[tilespmem:s17], [sflag:$0x1] =	stream.indirect_vreg.gather [hbm4b:s4+s1], $0x80, v3, vm0, $0xb8;
	[tilespmem:$0x10100] =	vst v63  }
0xcc: {  	s18 =	simm.s32 $0xF000  }
0xcd: {  	[tilespmem:s18], [sflag:$0x1] =	stream.indirect_vreg.gather [hbm4b:s5+s1], $0x80, v3, vm0, $0xb8;
	[tilespmem:$0x10100] =	vst v63  }
0xce: {  	s17 =	simm.s32 $0xF800  }
0xcf: {  	[tilespmem:s17], [sflag:$0x1] =	stream.indirect_vreg.gather [hbm4b:s6+s1], $0x80, v3, vm0, $0xb8;
	[tilespmem:$0x10100] =	vst v63  }
0xd0: {  	_ =	swait.ge [sflag:s16], $0x10000  }
0xd1: {  	p0 =	sne.s32 s7, $0x1;
	[sflag:s16] =	ssyncset.done $0x0  }
.Ltmp0:
0xd2: {  	s18 =	rddreg [dreg:$0x5];
	[sflag:s16] =	ssyncadd.s32 $0xFFFF0000;
	(pc) =	sbr.rel @p0 .LBB2_1-.Ltmp0, $4  }
0xd3: {  	[hbm4b:s18+s1] =	stream.linear.scatter [tilespmem:s1], [sflag:$0x2], $0x10000, $0x38;
	[tilespmem:$0x10100] =	vst v63  }
0xd4: {  	_ =	swait.ge [sflag:s8], $0x10000  }
0xd5: {  	[sflag:s8] =	ssyncset.done $0x0  }
0xd6: {  	s7 =	sadd.s32 $0xFFFFFFFF, s7;
	[sflag:s8] =	ssyncadd.s32 $0xFFFF0000  }
0xd7: {  	_ =	sfence.sel $0x180000  }
0xd8: {  	[bflag:$0x0] =	sbarrier.arrive $0xFFFF  }
0xd9: {  	_ =	strace $0x9000004A  }
0xda: {  	s0 =	stileid.u32;
	[bflag:$0x2] =	sbarrier.arrive $0xFFFF  }
0xdb: {  	p0 =	sne.s32 s0, $0x0;
	s0 =	rddreg [dreg:$0x2]  }
0xdc: {  	s0 =	sadd.s32 @!p0 $0x100000, s0  }
0xdd: {  	[sflag:s0] =	ssyncadd.tile.s32 @!p0 $0x1;
	_ =	shalt  }
.Lfunc_end2:
_tile_overlayer_lowered:
.L_overlay_start_2:
0xde: {  	(tag) =	ssettag $0x2  }
0xdf: {  	s0 =	rddreg [dreg:$0x0];
	s2 =	stileid.u32  }
0xe0: {  	s1 =	rddreg [dreg:$0x1];
	p0 =	sne.s32 s2, $0x0  }
0xe1: {  	s3 =	rddreg [dreg:$0x2];
	[bflag:$0x3] =	sbarrier.arrive $0xFFFF;
	s2 =	simm.s32 @!p0 $0x1C02  }
0xe2: {  	[timem:s3], [sflag:s2] =	dma.local @!p0 [hbm:s0], s1  }
0xe3: {  	s0 =	simm.s32 @!p0 $0x2  }
0xe4: {  	_ =	swait.ge @!p0 [sflag:s0], s1  }
0xe5: {  	s1 =	ssub.s32 @!p0 $0x0, s1;
	[sflag:s0] =	ssyncset.done @!p0 $0x0  }
0xe6: {  	[sflag:s0] =	ssyncadd.s32 @!p0 s1  }
0xe7: {  	[bflag:$0x3] =	sbarrier.arrive $0xFFFF  }
0xe8: {  	_ =	shalt  }

// kernel: kernel.7.cloned.1.call-start
scs
__scs_entry_jumppad:
0x0: {  	(pc) =	sbr.rel $0x88, $3  }
0x1: {  	(tag) =	ssettag $0x0;
	lr =	simm.s32 $0x1  }
0x2: {  	[smem:$0x3F93] =	sst lr;
	_ =	strace $0xD0000000  }
0x3: {  	_ = 	snop  }
0x4: {  	_ = 	snop  }
0x5: {  	_ = 	snop  }
0x6: {  	_ = 	snop  }
0x7: {  	_ = 	snop  }
__scs_overlays_trampoline_lowered:
0x8: {  	[smem:$0x3FA2] =	sst s0  }
0x9: {  	[smem:$0x3FA3] =	sst s1  }
0xa: {  	[smem:$0x3FA4] =	sst s2  }
0xb: {  	[smem:$0x3FA5] =	sst s3  }
0xc: {  	[smem:$0x3FA6] =	sst s4  }
0xd: {  	[smem:$0x3FA7] =	sst s5  }
0xe: {  	[smem:$0x3FA8] =	sst s6  }
0xf: {  	[smem:$0x3FA9] =	sst s7  }
0x10: {  	[smem:$0x3FAA] =	sst s8  }
0x11: {  	[smem:$0x3FAB] =	sst s9;
	s0 =	simm.s32 @!p0 $0x0  }
0x12: {  	s1 =	sld [smem:$0x3F91];
	s0 =	simm.s32 @p0 $0x1  }
0x13: {  	[smem:$0x3FAC] =	sst s0;
	s0 =	simm.s32 @!p1 $0x0  }
0x14: {  	s2 =	sld [smem:$0x3F90];
	s0 =	simm.s32 @p1 $0x1  }
0x15: {  	[smem:$0x3FAD] =	sst s0;
	s0 =	simm.s32 @!p2 $0x0  }
0x16: {  	s3 =	sld [smem:$0x3FDB];
	s0 =	simm.s32 @p2 $0x1  }
0x17: {  	s4 =	simm.s32 $0x1BF5;
	[smem:$0x3FAF] =	sst s0  }
0x18: {  	s0 =	sld [smem:$0x3F92];
	_ =	swait.ge [sflag:s4], $0x0  }
0x19: {  	s7 =	sld [smem:$0x3F93]  }
0x1a: {  	s8 =	sadd.s32 $0xFFFFE003, lr  }
0x1b: {  	s9 =	sadd.s32 $0xFFFFFEF7, lr;
	s5 =	simm.s32 $0xFFFFFFFF;
	p2 =	slt.u32 s8, $0xFFFFF086  }
0x1c: {  	p1 =	slt.u32 s9, $0xF7A;
	s5 =	simm.s32 @!p2 $0x0  }
0x1d: {  	s5 =	simm.s32 @p1 $0x1;
	p0 =	seq.s32 s7, s2  }
0x1e: {  	s7 =	smul.u32 @!p0 $0xF7A, s2;
	p2 =	seq.s32 @!p0 s5, $0x0  }
0x1f: {  	s9 =	smul.u32 $0xF7A, s1;
	s8 =	simm.s32 @!p0 $0x1BF5;
	p2 =	por !p2, p0  }
0x20: {  	[sflag:s8] =	ssyncset.s32 @!p0 $0xFFFFF086;
	s6 =	sadd.s32 @!p0 s3, s7;
	s7 =	simm.s32 @!p0 $0x108  }
0x21: {  	s3 =	sadd.s32 s3, s9;
	s6 =	sadd.s32 @!p0 $0x88, s6;
	s7 =	simm.s32 @p2 $0x1082  }
0x22: {  	[simem:s7], [sflag:s8] =	dma.local @!p0 [hbm:s6], $0xF7A  }
0x23: {  	s9 =	sor.u32 $0xD0000000, s2;
	s6 =	simm.s32 $0x108;
	_ =	swait.ge @!p0 [sflag:s8], $0x0  }
0x24: {  	s3 =	sadd.s32 $0x88, s3;
	s6 =	simm.s32 @!p1 $0x1082;
	[sflag:s4] =	ssyncset.s32 $0xFFFFF086  }
0x25: {  	[simem:s6], [sflag:s4] =	dma.local [hbm:s3], $0xF7A  }
0x26: {  	[smem:$0x3F93] =	sst s1;
	(tag) =	ssettag s2;
	_ =	strace s9  }
0x27: {  	s1 =	sld [smem:$0x3FA3]  }
0x28: {  	s2 =	sld [smem:$0x3FA4]  }
0x29: {  	s4 =	sld [smem:$0x3FA6]  }
0x2a: {  	p0 =	seq.s32 s5, $0x0;
	s5 =	sld [smem:$0x3FA7]  }
0x2b: {  	s6 =	sld [smem:$0x3FA8]  }
0x2c: {  	s7 =	sld [smem:$0x3FA9]  }
0x2d: {  	s3 =	simm.s32 $0x108;
	s8 =	sld [smem:$0x3FAA]  }
0x2e: {  	s3 =	simm.s32 @!p0 $0x1082;
	s9 =	sld [smem:$0x3FAB]  }
0x2f: {  	lr =	sadd.s32 s0, s3;
	s0 =	sld [smem:$0x3FA2]  }
0x30: {  	s3 =	sld [smem:$0x3FA5]  }
0x31: {  	[smem:$0x3FAE] =	sst s10  }
0x32: {  	s10 =	sld [smem:$0x3FAC];
	_ =	sdelay $0x3  }
0x33: {  	p0 =	seq.s32 s10, $0x1;
	s10 =	sld [smem:$0x3FAE];
	_ =	sdelay $0x3  }
0x34: {  	[smem:$0x3FAE] =	sst s10  }
0x35: {  	s10 =	sld [smem:$0x3FAD];
	_ =	sdelay $0x3  }
0x36: {  	p1 =	seq.s32 s10, $0x1;
	s10 =	sld [smem:$0x3FAE];
	_ =	sdelay $0x3  }
0x37: {  	[smem:$0x3FAE] =	sst s10  }
0x38: {  	s10 =	sld [smem:$0x3FAF]  }
0x39: {  	_ = 	snop;
	(pc) =	sbr.ind lr, $3  }
0x3a: {  	_ = 	snop  }
0x3b: {  	_ = 	snop  }
0x3c: {  	p2 =	seq.s32 s10, $0x1;
	s10 =	sld [smem:$0x3FAE]  }
0x3d: {  	_ =	shalt  }
0x3e: {  	_ =	shalt  }
0x3f: {  	_ =	shalt  }
0x40: {  	_ =	shalt  }
0x41: {  	_ =	shalt  }
0x42: {  	_ =	shalt  }
0x43: {  	_ =	shalt  }
0x44: {  	_ =	shalt  }
0x45: {  	_ =	shalt  }
0x46: {  	_ =	shalt  }
0x47: {  	_ =	shalt  }
0x48: {  	_ =	shalt  }
0x49: {  	_ =	shalt  }
0x4a: {  	_ =	shalt  }
0x4b: {  	_ =	shalt  }
0x4c: {  	_ =	shalt  }
0x4d: {  	_ =	shalt  }
0x4e: {  	_ =	shalt  }
0x4f: {  	_ =	shalt  }
0x50: {  	_ =	shalt  }
0x51: {  	_ =	shalt  }
0x52: {  	_ =	shalt  }
0x53: {  	_ =	shalt  }
0x54: {  	_ =	shalt  }
0x55: {  	_ =	shalt  }
0x56: {  	_ =	shalt  }
0x57: {  	_ =	shalt  }
0x58: {  	_ =	shalt  }
0x59: {  	_ =	shalt  }
0x5a: {  	_ =	shalt  }
0x5b: {  	_ =	shalt  }
0x5c: {  	_ =	shalt  }
0x5d: {  	_ =	shalt  }
0x5e: {  	_ =	shalt  }
0x5f: {  	_ =	shalt  }
0x60: {  	_ =	shalt  }
0x61: {  	_ =	shalt  }
0x62: {  	_ =	shalt  }
0x63: {  	_ =	shalt  }
0x64: {  	_ =	shalt  }
0x65: {  	_ =	shalt  }
0x66: {  	_ =	shalt  }
0x67: {  	_ =	shalt  }
0x68: {  	_ =	shalt  }
0x69: {  	_ =	shalt  }
0x6a: {  	_ =	shalt  }
0x6b: {  	_ =	shalt  }
0x6c: {  	_ =	shalt  }
0x6d: {  	_ =	shalt  }
0x6e: {  	_ =	shalt  }
0x6f: {  	_ =	shalt  }
0x70: {  	_ =	shalt  }
0x71: {  	_ =	shalt  }
0x72: {  	_ =	shalt  }
0x73: {  	_ =	shalt  }
0x74: {  	_ =	shalt  }
0x75: {  	_ =	shalt  }
0x76: {  	_ =	shalt  }
0x77: {  	_ =	shalt  }
0x78: {  	_ =	shalt  }
0x79: {  	_ =	shalt  }
0x7a: {  	_ =	shalt  }
0x7b: {  	_ =	shalt  }
0x7c: {  	_ =	shalt  }
0x7d: {  	_ =	shalt  }
0x7e: {  	_ =	shalt  }
0x7f: {  	_ =	shalt  }
0x80: {  	_ =	shalt  }
0x81: {  	_ =	shalt  }
0x82: {  	_ =	shalt  }
0x83: {  	_ =	shalt  }
0x84: {  	_ =	shalt  }
0x85: {  	_ =	shalt  }
0x86: {  	_ =	shalt  }
0x87: {  	_ =	shalt  }
.Lfunc_end0:
.L_simem_size_0:
called_computation_lowered:
.L_overlay_start_0:
0x88: {  	s2 =	sld [smem:$0x3FD9]  }
0x89: {  	s3 =	sld [smem:$0x3FFE];
	_ =	sdelay $0x1  }
0x8a: {  	s1 =	srdreg.scid  }
0x8b: {  	s0 =	sand.u32 $0x1, s1  }
0x8c: {  	s14 =	sshll.u32 s0, $0xA;
	s2 =	sadd.s32 s3, s2  }
0x8d: {  	s2 =	sadd.s32 s2, s14  }
0x8e: {  	[smem:$0x3FBA] =	sst s2  }
0x8f: {  	_ = 	snop  }
0x90: {  	s2 =	sld [smem:$0x3FD0];
	_ =	sdelay $0x2  }
0x91: {  	s15 =	simm.s32 $0xA;
	s4 =	simm.s32 $0x10  }
0x92: {  	[smem:s4], [sflag:s15] =	dma.local [hbm:s2], $0x1  }
0x93: {  	_ =	swait.eq [sflag:s15], $0x1  }
0x94: {  	[sflag:s15] =	ssyncset.done $0x0  }
0x95: {  	[sflag:s15] =	ssyncadd.s32 $0xFFFFFFFF  }
0x96: {  	s16 =	sld [smem:$0x10];
	(tm) =	ssettm $0x1  }
0x97: {  	s17 =	sld [smem:$0x3FFB];
	_ =	sdelay $0x3  }
0x98: {  	_ =	strace s17  }
0x99: {  	s3 =	sld [smem:$0x3FFC];
	_ =	sdelay $0x3  }
0x9a: {  	_ =	strace s3  }
0x9b: {  	s3 =	sld [smem:$0x3FFD];
	_ =	sdelay $0x3  }
0x9c: {  	_ =	strace s3  }
0x9d: {  	_ =	strace $0x8FFFFFFF  }
0x9e: {  	s18 =	sld [smem:$0x3FDB];
	_ =	sdelay $0x1  }
0x9f: {  	s19 =	simm.s32 $_scs_section_size  }
0xa0: {  	s5 =	simm.s32 $_size__tile_overlayer_lowered;
	s6 =	simm.s32 $_tile_overlayer_lowered  }
0xa1: {  	s22 =	simm.s32 $0x1BFF;
	s21 =	sshll.u32 s6, $0x1;
	s3 =	sadd.s32 s19, s18  }
0xa2: {  	s7 =	simm.s32 $0x0;
	s20 =	sshll.u32 s5, $0x1;
	s5 =	sadd.s32 s21, s3  }
0xa3: {  	[timem:s7], [sflag:s22] =	dma.local [hbm:s5], s20  }
0xa4: {  	_ =	swait.ge [sflag:s22], s20  }
0xa5: {  	s4 =	ssub.s32 $0x0, s20;
	[sflag:s22] =	ssyncset.done $0x0  }
0xa6: {  	[sflag:s22] =	ssyncadd.s32 s4;
	_ =	sdelay $0x1  }
0xa7: {  	s23 =	simm.s32 $0x1B8B  }
0xa8: {  	_ =	swait.ge [sflag:s23], $0x1  }
0xa9: {  	[sflag:s23] =	ssyncset.done $0x0  }
0xaa: {  	s25 =	simm.s32 $0x1B8E;
	s24 =	sld [smem:$0x3FFE];
	[sflag:s23] =	ssyncadd.s32 $0xFFFFFFFF  }
0xab: {  	s26 =	simm.s32 $execute0_lowered;
	[smem:$0x3FD2] =	sst s25  }
0xac: {  	s5 =	sshll.u32 s26, $0x1;
	_ =	strace $0x80000046;
	[dreg:$0x1] =	wrdreg $0xFFFFFFFF  }
0xad: {  	s28 =	simm.s32 $_size_execute0_lowered;
	s3 =	sadd.s32 s3, s5;
	[dreg:$0x0] =	wrdreg $0x0  }
0xae: {  	s5 =	sshll.u32 s28, $0x1;
	[dreg:$0x2] =	wrdreg s3  }
0xaf: {  	[dreg:$0x3] =	wrdreg s5  }
0xb0: {  	[dreg:$0x4] =	wrdreg $0xC0  }
0xb1: {  	_ =	task [dreg:s7], $0x5FFFF  }
0xb2: {  	[dreg:$0x1] =	wrdreg $0xFFFFFFFF  }
0xb3: {  	[dreg:$0x0] =	wrdreg $0x60  }
0xb4: {  	[dreg:$0x2] =	wrdreg s16  }
0xb5: {  	[dreg:$0x3] =	wrdreg s24  }
0xb6: {  	[dreg:$0x4] =	wrdreg $0x9  }
0xb7: {  	_ =	task.clear_ibuf [dreg:s7], $0x5FFFF;
	_ =	strace $0x90000046  }
0xb8: {  	s29 =	simm.s32 $0x9;
	_ =	strace $0x80000048  }
0xb9: {  	_ =	swait.ge [sflag:s29], $0x1  }
0xba: {  	[sflag:s29] =	ssyncadd.s32 $0xFFFFFFFF  }
0xbb: {  	_ =	strace $0x90000048  }
0xbc: {  	_ =	sfence  }
0xbd: {  	s30 =	sld [smem:$0x0];
	_ =	sdelay $0x2  }
0xbe: {  	s31 =	sshll.u32 s1, $0xD;
	s1 =	sshrl.u32 s1, $0x2  }
0xbf: {  	s3 =	sand.u32 $0x4000, s31;
	s1 =	sadd.s32 s1, s30  }
0xc0: {  	s0 =	sor.u32 s3, s0;
	s1 =	sshll.u32 s1, $0x11  }
0xc1: {  	s0 =	sor.u32 s1, s0  }
0xc2: {  	s0 =	sadd.s32 $0x8F2B, s0  }
0xc3: {  	[sflag:s0] =	ssyncadd.remote.s32 $0x1  }
0xc4: {  	_ =	sfence.sel $0xFFFF  }
0xc5: {  	[dreg:$0x0] =	wrdreg $0xFFFFFFFF;
	(pc) =	sbr.abs _section_cstart, $3  }
0xc6: {  	[dreg:$0x1] =	wrdreg $0xFFFFFFFF  }
0xc7: {  	_ =	task.clear_ibuf [dreg:s7], $0x2FFFF;
	_ =	strace $0x9FFFFFFF  }
0xc8: {  	(tm) =	ssettm $0x7FFFFFFF  }
0xc9: {  	_ =	shalt  }
tec
execute0_lowered:
.L_overlay_start_1:
0x0: {  	(tag) =	ssettag $0x1  }
0x1: {  	s0 =	rddreg [dreg:$0x0]  }
0x2: {  	s2 =	rddreg [dreg:$0x1];
	s1 =	simm.s32 $0x0  }
0x3: {  	s4 =	srdreg.scid;
	s10 =	stileid.u32;
	s24 =	simm.s32 $0x10000  }
0x4: {  	s26 =	simm.s32 $0x10080;
	s16 =	simm.s32 $0x1;
	s19 =	simm.s32 $0x1800  }
0x5: {  	s20 =	simm.s32 $0x2000;
	s21 =	simm.s32 $0x2800;
	s28 =	simm.s32 $0x5800  }
0x6: {  	s29 =	simm.s32 $0x6000;
	s30 =	simm.s32 $0x6800;
	s31 =	simm.s32 $0x7000  }
0x7: {  	s11 =	simm.s32 $0x9800;
	s12 =	simm.s32 $0xA000;
	s13 =	simm.s32 $0xA800  }
0x8: {  	s14 =	simm.s32 $0xB000;
	s15 =	simm.s32 $0xB800;
	[smem:$0x7FF] =	sst s1  }
0x9: {  	s3 =	sadd.s32 $0x200, s2;
	s4 =	sand.u32 $0x1, s4;
	s7 =	sshll.u32 s10, $0x5  }
0xa: {  	s22 =	sshll.u32 s10, $0xE;
	s23 =	sadd.s32 $0x10, s2;
	s10 =	simm.s32 $0x9000  }
0xb: {  	_ =	strace $0x80000047;
	s5 =	ssub.s32 $0x2, s4;
	[dreg:$0x5] =	wrdreg s24  }
0xc: {  	s6 =	sshll.u32 s4, $0x3;
	s4 =	sshll.u32 s4, $0xD;
	[dreg:$0x7] =	wrdreg s26  }
0xd: {  	s24 =	simm.s32 $0x4000;
	s26 =	simm.s32 $0x5000;
	s8 =	sshrl.u32 s5, $0x1  }
0xe: {  	s9 =	sor.u32 s6, s7;
	s0 =	sadd.s32 s0, s4;
	s4 =	sadd.s32 $0x300, s2  }
0xf: {  	s6 =	sadd.s32 s2, s9;
	s8 =	ssub.s32 s5, s8;
	s0 =	sadd.s32 s22, s0  }
0x10: {  	s5 =	sadd.s32 $0x400, s2;
	s25 =	sadd.s32 s9, s23;
	s22 =	simm.s32 $0x3000  }
0x11: {  	v2 =	vlaneseq.u32;
	s23 =	simm.s32 $0x3800;
	s9 =	simm.s32 $0x8800;
	[dreg:$0x3] =	wrdreg s6  }
0x12: {  	vm0 =	vmmov $0xffff;
	v1 =	vshrl.u32 v2, $0x3;
	[dreg:$0x4] =	wrdreg s0;
	s6 =	sadd.s32 $0x500, s2;
	s7 =	smax.u32 s8, $0x1  }
0x13: {  	v0 =	vand.u32 $0x7, v2;
	v2 =	vor.u32 $0x8, v2;
	v1 =	vmul.u32 $0x8, v1;
	s8 =	simm.s32 $0x2;
	[dreg:$0x6] =	wrdreg s25;
	s25 =	simm.s32 $0x4800  }
.LBB2_1:
0x14: {  	s17 =	rddreg [dreg:$0x3]  }
0x15: {  	s18 =	rddreg [dreg:$0x5]  }
0x16: {  	[tilespmem:s18], [sflag:$0x2] =	stream.linear.gather [hbm4b:s17+s1], $0x40, $0x38;
	[tilespmem:$0x10100] =	vst v63  }
0x17: {  	_ =	swait.ge [sflag:s8], $0x40  }
0x18: {  	s18 =	rddreg [dreg:$0x6];
	[sflag:s8] =	ssyncset.done $0x0  }
0x19: {  	s0 =	rddreg [dreg:$0x7];
	[sflag:s8] =	ssyncadd.s32 $0xFFFFFFC0  }
0x1a: {  	[tilespmem:s0], [sflag:$0x2] =	stream.linear.gather [hbm4b:s18+s1], $0x40, $0x38;
	[tilespmem:$0x10100] =	vst v63  }
0x1b: {  	_ =	swait.ge [sflag:s8], $0x40  }
0x1c: {  	[sflag:s8] =	ssyncset.done $0x0  }
0x1d: {  	s2 =	rddreg [dreg:$0x4];
	[sflag:s8] =	ssyncadd.s32 $0xFFFFFFC0  }
0x1e: {  	[tilespmem:s1], [sflag:$0x2] =	stream.linear.gather [hbm4b:s2+s1], $0x10000, $0x38;
	[tilespmem:$0x10100] =	vst v63  }
0x1f: {  	_ =	swait.ge [sflag:s8], $0x10000  }
0x20: {  	[sflag:s8] =	ssyncset.done $0x0  }
0x21: {  	[sflag:s8] =	ssyncadd.s32 $0xFFFF0000  }
0x22: {  	v3 =	vld [tilespmem:$0x10000];
	_ =	sdelay $0x4  }
0x23: {  	v4 =	vshll.u32 v3, $0x3  }
0x24: {  	v3 =	vand.u32 $0x7, v3;
	v4 =	vand.u32 $0xFFFFFFC0, v4  }
0x25: {  	v3 =	vor.u32 v3, v4  }
0x26: {  	v4 =	vperm.xlane v3, v0;
	_ =	sdelay $0x1  }
0x27: {  	v4 =	vadd.s32 v1, v4;
	_ =	sdelay $0x4  }
0x28: {  	[hbm4b:s3+s1] =	stream.indirect_vreg.scatter [tilespmem:s1], [sflag:$0x1], $0x80, v4, vm0, $0xb8;
	[tilespmem:$0x10100] =	vst v63  }
0x29: {  	s17 =	simm.s32 $0x800;
	v3 =	vperm.xlane v3, v2  }
0x2a: {  	[hbm4b:s4+s1] =	stream.indirect_vreg.scatter [tilespmem:s17], [sflag:$0x1], $0x80, v4, vm0, $0xb8;
	[tilespmem:$0x10100] =	vst v63  }
0x2b: {  	s18 =	simm.s32 $0x1000;
	v3 =	vadd.s32 v1, v3  }
0x2c: {  	[hbm4b:s5+s1] =	stream.indirect_vreg.scatter [tilespmem:s18], [sflag:$0x1], $0x80, v4, vm0, $0xb8;
	[tilespmem:$0x10100] =	vst v63  }
0x2d: {  	_ = 	snop  }
0x2e: {  	[hbm4b:s6+s1] =	stream.indirect_vreg.scatter [tilespmem:s19], [sflag:$0x1], $0x80, v4, vm0, $0xb8;
	[tilespmem:$0x10100] =	vst v63  }
0x2f: {  	_ = 	snop  }
0x30: {  	[hbm4b:s3+s1] =	stream.indirect_vreg.scatter [tilespmem:s20], [sflag:$0x1], $0x80, v3, vm0, $0xb8;
	[tilespmem:$0x10100] =	vst v63  }
0x31: {  	_ = 	snop  }
0x32: {  	[hbm4b:s4+s1] =	stream.indirect_vreg.scatter [tilespmem:s21], [sflag:$0x1], $0x80, v3, vm0, $0xb8;
	[tilespmem:$0x10100] =	vst v63  }
0x33: {  	_ = 	snop  }
0x34: {  	[hbm4b:s5+s1] =	stream.indirect_vreg.scatter [tilespmem:s22], [sflag:$0x1], $0x80, v3, vm0, $0xb8;
	[tilespmem:$0x10100] =	vst v63  }
0x35: {  	_ = 	snop  }
0x36: {  	[hbm4b:s6+s1] =	stream.indirect_vreg.scatter [tilespmem:s23], [sflag:$0x1], $0x80, v3, vm0, $0xb8;
	[tilespmem:$0x10100] =	vst v63  }
0x37: {  	v3 =	vld [tilespmem:$0x10010];
	_ =	sdelay $0x4  }
0x38: {  	v57 =	vshll.u32 v3, $0x3  }
0x39: {  	v3 =	vand.u32 $0x7, v3;
	v4 =	vand.u32 $0xFFFFFFC0, v57  }
0x3a: {  	v3 =	vor.u32 v3, v4  }
0x3b: {  	v4 =	vperm.xlane v3, v0;
	_ =	sdelay $0x1  }
0x3c: {  	v4 =	vadd.s32 v1, v4;
	_ =	sdelay $0x4  }
0x3d: {  	[hbm4b:s3+s1] =	stream.indirect_vreg.scatter [tilespmem:s24], [sflag:$0x1], $0x80, v4, vm0, $0xb8;
	[tilespmem:$0x10100] =	vst v63  }
0x3e: {  	v3 =	vperm.xlane v3, v2  }
0x3f: {  	[hbm4b:s4+s1] =	stream.indirect_vreg.scatter [tilespmem:s25], [sflag:$0x1], $0x80, v4, vm0, $0xb8;
	[tilespmem:$0x10100] =	vst v63  }
0x40: {  	v3 =	vadd.s32 v1, v3  }
0x41: {  	[hbm4b:s5+s1] =	stream.indirect_vreg.scatter [tilespmem:s26], [sflag:$0x1], $0x80, v4, vm0, $0xb8;
	[tilespmem:$0x10100] =	vst v63  }
0x42: {  	_ = 	snop  }
0x43: {  	[hbm4b:s6+s1] =	stream.indirect_vreg.scatter [tilespmem:s28], [sflag:$0x1], $0x80, v4, vm0, $0xb8;
	[tilespmem:$0x10100] =	vst v63  }
0x44: {  	_ = 	snop  }
0x45: {  	[hbm4b:s3+s1] =	stream.indirect_vreg.scatter [tilespmem:s29], [sflag:$0x1], $0x80, v3, vm0, $0xb8;
	[tilespmem:$0x10100] =	vst v63  }
0x46: {  	_ = 	snop  }
0x47: {  	[hbm4b:s4+s1] =	stream.indirect_vreg.scatter [tilespmem:s30], [sflag:$0x1], $0x80, v3, vm0, $0xb8;
	[tilespmem:$0x10100] =	vst v63  }
0x48: {  	_ = 	snop  }
0x49: {  	[hbm4b:s5+s1] =	stream.indirect_vreg.scatter [tilespmem:s31], [sflag:$0x1], $0x80, v3, vm0, $0xb8;
	[tilespmem:$0x10100] =	vst v63  }
0x4a: {  	s0 =	simm.s32 $0x7800  }
0x4b: {  	[hbm4b:s6+s1] =	stream.indirect_vreg.scatter [tilespmem:s0], [sflag:$0x1], $0x80, v3, vm0, $0xb8;
	[tilespmem:$0x10100] =	vst v63  }
0x4c: {  	v3 =	vld [tilespmem:$0x10020];
	_ =	sdelay $0x4  }
0x4d: {  	v58 =	vshll.u32 v3, $0x3  }
0x4e: {  	v3 =	vand.u32 $0x7, v3;
	v4 =	vand.u32 $0xFFFFFFC0, v58  }
0x4f: {  	v3 =	vor.u32 v3, v4  }
0x50: {  	v4 =	vperm.xlane v3, v0;
	_ =	sdelay $0x1  }
0x51: {  	v4 =	vadd.s32 v1, v4;
	_ =	sdelay $0x3  }
0x52: {  	s2 =	simm.s32 $0x8000  }
0x53: {  	[hbm4b:s3+s1] =	stream.indirect_vreg.scatter [tilespmem:s2], [sflag:$0x1], $0x80, v4, vm0, $0xb8;
	[tilespmem:$0x10100] =	vst v63  }
0x54: {  	v3 =	vperm.xlane v3, v2  }
0x55: {  	[hbm4b:s4+s1] =	stream.indirect_vreg.scatter [tilespmem:s9], [sflag:$0x1], $0x80, v4, vm0, $0xb8;
	[tilespmem:$0x10100] =	vst v63  }
0x56: {  	v3 =	vadd.s32 v1, v3  }
0x57: {  	[hbm4b:s5+s1] =	stream.indirect_vreg.scatter [tilespmem:s10], [sflag:$0x1], $0x80, v4, vm0, $0xb8;
	[tilespmem:$0x10100] =	vst v63  }
0x58: {  	_ = 	snop  }
0x59: {  	[hbm4b:s6+s1] =	stream.indirect_vreg.scatter [tilespmem:s11], [sflag:$0x1], $0x80, v4, vm0, $0xb8;
	[tilespmem:$0x10100] =	vst v63  }
0x5a: {  	_ = 	snop  }
0x5b: {  	[hbm4b:s3+s1] =	stream.indirect_vreg.scatter [tilespmem:s12], [sflag:$0x1], $0x80, v3, vm0, $0xb8;
	[tilespmem:$0x10100] =	vst v63  }
0x5c: {  	_ = 	snop  }
0x5d: {  	[hbm4b:s4+s1] =	stream.indirect_vreg.scatter [tilespmem:s13], [sflag:$0x1], $0x80, v3, vm0, $0xb8;
	[tilespmem:$0x10100] =	vst v63  }
0x5e: {  	_ = 	snop  }
0x5f: {  	[hbm4b:s5+s1] =	stream.indirect_vreg.scatter [tilespmem:s14], [sflag:$0x1], $0x80, v3, vm0, $0xb8;
	[tilespmem:$0x10100] =	vst v63  }
0x60: {  	_ = 	snop  }
0x61: {  	[hbm4b:s6+s1] =	stream.indirect_vreg.scatter [tilespmem:s15], [sflag:$0x1], $0x80, v3, vm0, $0xb8;
	[tilespmem:$0x10100] =	vst v63  }
0x62: {  	v3 =	vld [tilespmem:$0x10030];
	_ =	sdelay $0x4  }
0x63: {  	v59 =	vshll.u32 v3, $0x3  }
0x64: {  	v3 =	vand.u32 $0x7, v3;
	v4 =	vand.u32 $0xFFFFFFC0, v59  }
0x65: {  	v3 =	vor.u32 v3, v4  }
0x66: {  	v4 =	vperm.xlane v3, v0;
	_ =	sdelay $0x1  }
0x67: {  	v4 =	vadd.s32 v1, v4;
	_ =	sdelay $0x3  }
0x68: {  	s0 =	simm.s32 $0xC000  }
0x69: {  	[hbm4b:s3+s1] =	stream.indirect_vreg.scatter [tilespmem:s0], [sflag:$0x1], $0x80, v4, vm0, $0xb8;
	[tilespmem:$0x10100] =	vst v63  }
0x6a: {  	v3 =	vperm.xlane v3, v2;
	s0 =	simm.s32 $0xC800  }
0x6b: {  	[hbm4b:s4+s1] =	stream.indirect_vreg.scatter [tilespmem:s0], [sflag:$0x1], $0x80, v4, vm0, $0xb8;
	[tilespmem:$0x10100] =	vst v63  }
0x6c: {  	v3 =	vadd.s32 v1, v3;
	s0 =	simm.s32 $0xD000  }
0x6d: {  	[hbm4b:s5+s1] =	stream.indirect_vreg.scatter [tilespmem:s0], [sflag:$0x1], $0x80, v4, vm0, $0xb8;
	[tilespmem:$0x10100] =	vst v63  }
0x6e: {  	s0 =	simm.s32 $0xD800  }
0x6f: {  	[hbm4b:s6+s1] =	stream.indirect_vreg.scatter [tilespmem:s0], [sflag:$0x1], $0x80, v4, vm0, $0xb8;
	[tilespmem:$0x10100] =	vst v63  }
0x70: {  	s0 =	simm.s32 $0xE000  }
0x71: {  	[hbm4b:s3+s1] =	stream.indirect_vreg.scatter [tilespmem:s0], [sflag:$0x1], $0x80, v3, vm0, $0xb8;
	[tilespmem:$0x10100] =	vst v63  }
0x72: {  	s0 =	simm.s32 $0xE800  }
0x73: {  	[hbm4b:s4+s1] =	stream.indirect_vreg.scatter [tilespmem:s0], [sflag:$0x1], $0x80, v3, vm0, $0xb8;
	[tilespmem:$0x10100] =	vst v63  }
0x74: {  	s0 =	simm.s32 $0xF000  }
0x75: {  	[hbm4b:s5+s1] =	stream.indirect_vreg.scatter [tilespmem:s0], [sflag:$0x1], $0x80, v3, vm0, $0xb8;
	[tilespmem:$0x10100] =	vst v63  }
0x76: {  	s0 =	simm.s32 $0xF800  }
0x77: {  	[hbm4b:s6+s1] =	stream.indirect_vreg.scatter [tilespmem:s0], [sflag:$0x1], $0x80, v3, vm0, $0xb8;
	[tilespmem:$0x10100] =	vst v63  }
0x78: {  	_ =	swait.ge [sflag:s16], $0x10000  }
0x79: {  	[sflag:s16] =	ssyncset.done $0x0  }
0x7a: {  	[sflag:s16] =	ssyncadd.s32 $0xFFFF0000  }
0x7b: {  	v3 =	vld [tilespmem:$0x10080];
	_ =	sdelay $0x4  }
0x7c: {  	v60 =	vshll.u32 v3, $0x3  }
0x7d: {  	v3 =	vand.u32 $0x7, v3;
	v4 =	vand.u32 $0xFFFFFFC0, v60  }
0x7e: {  	v3 =	vor.u32 v3, v4  }
0x7f: {  	v4 =	vperm.xlane v3, v0;
	_ =	sdelay $0x1  }
0x80: {  	v4 =	vadd.s32 v1, v4;
	_ =	sdelay $0x4  }
0x81: {  	[hbm4b:s3+s1] =	stream.indirect_vreg.scatter [tilespmem:s1], [sflag:$0x1], $0x80, v4, vm0, $0xb8;
	[tilespmem:$0x10100] =	vst v63  }
0x82: {  	v3 =	vperm.xlane v3, v2  }
0x83: {  	[hbm4b:s4+s1] =	stream.indirect_vreg.scatter [tilespmem:s17], [sflag:$0x1], $0x80, v4, vm0, $0xb8;
	[tilespmem:$0x10100] =	vst v63  }
0x84: {  	v3 =	vadd.s32 v1, v3  }
0x85: {  	[hbm4b:s5+s1] =	stream.indirect_vreg.scatter [tilespmem:s18], [sflag:$0x1], $0x80, v4, vm0, $0xb8;
	[tilespmem:$0x10100] =	vst v63  }
0x86: {  	_ = 	snop  }
0x87: {  	[hbm4b:s6+s1] =	stream.indirect_vreg.scatter [tilespmem:s19], [sflag:$0x1], $0x80, v4, vm0, $0xb8;
	[tilespmem:$0x10100] =	vst v63  }
0x88: {  	_ = 	snop  }
0x89: {  	[hbm4b:s3+s1] =	stream.indirect_vreg.scatter [tilespmem:s20], [sflag:$0x1], $0x80, v3, vm0, $0xb8;
	[tilespmem:$0x10100] =	vst v63  }
0x8a: {  	_ = 	snop  }
0x8b: {  	[hbm4b:s4+s1] =	stream.indirect_vreg.scatter [tilespmem:s21], [sflag:$0x1], $0x80, v3, vm0, $0xb8;
	[tilespmem:$0x10100] =	vst v63  }
0x8c: {  	_ = 	snop  }
0x8d: {  	[hbm4b:s5+s1] =	stream.indirect_vreg.scatter [tilespmem:s22], [sflag:$0x1], $0x80, v3, vm0, $0xb8;
	[tilespmem:$0x10100] =	vst v63  }
0x8e: {  	_ = 	snop  }
0x8f: {  	[hbm4b:s6+s1] =	stream.indirect_vreg.scatter [tilespmem:s23], [sflag:$0x1], $0x80, v3, vm0, $0xb8;
	[tilespmem:$0x10100] =	vst v63  }
0x90: {  	v3 =	vld [tilespmem:$0x10090];
	_ =	sdelay $0x4  }
0x91: {  	v61 =	vshll.u32 v3, $0x3  }
0x92: {  	v3 =	vand.u32 $0x7, v3;
	v4 =	vand.u32 $0xFFFFFFC0, v61  }
0x93: {  	v3 =	vor.u32 v3, v4  }
0x94: {  	v4 =	vperm.xlane v3, v0;
	_ =	sdelay $0x1  }
0x95: {  	v4 =	vadd.s32 v1, v4;
	_ =	sdelay $0x4  }
0x96: {  	[hbm4b:s3+s1] =	stream.indirect_vreg.scatter [tilespmem:s24], [sflag:$0x1], $0x80, v4, vm0, $0xb8;
	[tilespmem:$0x10100] =	vst v63  }
0x97: {  	v3 =	vperm.xlane v3, v2  }
0x98: {  	[hbm4b:s4+s1] =	stream.indirect_vreg.scatter [tilespmem:s25], [sflag:$0x1], $0x80, v4, vm0, $0xb8;
	[tilespmem:$0x10100] =	vst v63  }
0x99: {  	v3 =	vadd.s32 v1, v3  }
0x9a: {  	[hbm4b:s5+s1] =	stream.indirect_vreg.scatter [tilespmem:s26], [sflag:$0x1], $0x80, v4, vm0, $0xb8;
	[tilespmem:$0x10100] =	vst v63  }
0x9b: {  	_ = 	snop  }
0x9c: {  	[hbm4b:s6+s1] =	stream.indirect_vreg.scatter [tilespmem:s28], [sflag:$0x1], $0x80, v4, vm0, $0xb8;
	[tilespmem:$0x10100] =	vst v63  }
0x9d: {  	_ = 	snop  }
0x9e: {  	[hbm4b:s3+s1] =	stream.indirect_vreg.scatter [tilespmem:s29], [sflag:$0x1], $0x80, v3, vm0, $0xb8;
	[tilespmem:$0x10100] =	vst v63  }
0x9f: {  	_ = 	snop  }
0xa0: {  	[hbm4b:s4+s1] =	stream.indirect_vreg.scatter [tilespmem:s30], [sflag:$0x1], $0x80, v3, vm0, $0xb8;
	[tilespmem:$0x10100] =	vst v63  }
0xa1: {  	_ = 	snop  }
0xa2: {  	[hbm4b:s5+s1] =	stream.indirect_vreg.scatter [tilespmem:s31], [sflag:$0x1], $0x80, v3, vm0, $0xb8;
	[tilespmem:$0x10100] =	vst v63  }
0xa3: {  	s18 =	simm.s32 $0x7800  }
0xa4: {  	[hbm4b:s6+s1] =	stream.indirect_vreg.scatter [tilespmem:s18], [sflag:$0x1], $0x80, v3, vm0, $0xb8;
	[tilespmem:$0x10100] =	vst v63  }
0xa5: {  	v3 =	vld [tilespmem:$0x100A0];
	_ =	sdelay $0x4  }
0xa6: {  	v62 =	vshll.u32 v3, $0x3  }
0xa7: {  	v3 =	vand.u32 $0x7, v3;
	v4 =	vand.u32 $0xFFFFFFC0, v62  }
0xa8: {  	v3 =	vor.u32 v3, v4  }
0xa9: {  	v4 =	vperm.xlane v3, v0;
	_ =	sdelay $0x1  }
0xaa: {  	v4 =	vadd.s32 v1, v4;
	_ =	sdelay $0x4  }
0xab: {  	[hbm4b:s3+s1] =	stream.indirect_vreg.scatter [tilespmem:s2], [sflag:$0x1], $0x80, v4, vm0, $0xb8;
	[tilespmem:$0x10100] =	vst v63  }
0xac: {  	v3 =	vperm.xlane v3, v2  }
0xad: {  	[hbm4b:s4+s1] =	stream.indirect_vreg.scatter [tilespmem:s9], [sflag:$0x1], $0x80, v4, vm0, $0xb8;
	[tilespmem:$0x10100] =	vst v63  }
0xae: {  	v3 =	vadd.s32 v1, v3  }
0xaf: {  	[hbm4b:s5+s1] =	stream.indirect_vreg.scatter [tilespmem:s10], [sflag:$0x1], $0x80, v4, vm0, $0xb8;
	[tilespmem:$0x10100] =	vst v63  }
0xb0: {  	_ = 	snop  }
0xb1: {  	[hbm4b:s6+s1] =	stream.indirect_vreg.scatter [tilespmem:s11], [sflag:$0x1], $0x80, v4, vm0, $0xb8;
	[tilespmem:$0x10100] =	vst v63  }
0xb2: {  	_ = 	snop  }
0xb3: {  	[hbm4b:s3+s1] =	stream.indirect_vreg.scatter [tilespmem:s12], [sflag:$0x1], $0x80, v3, vm0, $0xb8;
	[tilespmem:$0x10100] =	vst v63  }
0xb4: {  	_ = 	snop  }
0xb5: {  	[hbm4b:s4+s1] =	stream.indirect_vreg.scatter [tilespmem:s13], [sflag:$0x1], $0x80, v3, vm0, $0xb8;
	[tilespmem:$0x10100] =	vst v63  }
0xb6: {  	_ = 	snop  }
0xb7: {  	[hbm4b:s5+s1] =	stream.indirect_vreg.scatter [tilespmem:s14], [sflag:$0x1], $0x80, v3, vm0, $0xb8;
	[tilespmem:$0x10100] =	vst v63  }
0xb8: {  	_ = 	snop  }
0xb9: {  	[hbm4b:s6+s1] =	stream.indirect_vreg.scatter [tilespmem:s15], [sflag:$0x1], $0x80, v3, vm0, $0xb8;
	[tilespmem:$0x10100] =	vst v63  }
0xba: {  	v3 =	vld [tilespmem:$0x100B0];
	_ =	sdelay $0x4  }
0xbb: {  	v63 =	vshll.u32 v3, $0x3  }
0xbc: {  	v3 =	vand.u32 $0x7, v3;
	v4 =	vand.u32 $0xFFFFFFC0, v63  }
0xbd: {  	v3 =	vor.u32 v3, v4  }
0xbe: {  	v4 =	vperm.xlane v3, v0;
	_ =	sdelay $0x1  }
0xbf: {  	v4 =	vadd.s32 v1, v4;
	_ =	sdelay $0x3  }
0xc0: {  	s18 =	simm.s32 $0xC000  }
0xc1: {  	[hbm4b:s3+s1] =	stream.indirect_vreg.scatter [tilespmem:s18], [sflag:$0x1], $0x80, v4, vm0, $0xb8;
	[tilespmem:$0x10100] =	vst v63  }
0xc2: {  	s17 =	simm.s32 $0xC800;
	v3 =	vperm.xlane v3, v2  }
0xc3: {  	[hbm4b:s4+s1] =	stream.indirect_vreg.scatter [tilespmem:s17], [sflag:$0x1], $0x80, v4, vm0, $0xb8;
	[tilespmem:$0x10100] =	vst v63  }
0xc4: {  	v3 =	vadd.s32 v1, v3;
	s18 =	simm.s32 $0xD000  }
0xc5: {  	[hbm4b:s5+s1] =	stream.indirect_vreg.scatter [tilespmem:s18], [sflag:$0x1], $0x80, v4, vm0, $0xb8;
	[tilespmem:$0x10100] =	vst v63  }
0xc6: {  	s17 =	simm.s32 $0xD800  }
0xc7: {  	[hbm4b:s6+s1] =	stream.indirect_vreg.scatter [tilespmem:s17], [sflag:$0x1], $0x80, v4, vm0, $0xb8;
	[tilespmem:$0x10100] =	vst v63  }
0xc8: {  	s18 =	simm.s32 $0xE000  }
0xc9: {  	[hbm4b:s3+s1] =	stream.indirect_vreg.scatter [tilespmem:s18], [sflag:$0x1], $0x80, v3, vm0, $0xb8;
	[tilespmem:$0x10100] =	vst v63  }
0xca: {  	s17 =	simm.s32 $0xE800  }
0xcb: {  	[hbm4b:s4+s1] =	stream.indirect_vreg.scatter [tilespmem:s17], [sflag:$0x1], $0x80, v3, vm0, $0xb8;
	[tilespmem:$0x10100] =	vst v63  }
0xcc: {  	p0 =	sne.s32 s7, $0x1;
	s18 =	simm.s32 $0xF000  }
0xcd: {  	[hbm4b:s5+s1] =	stream.indirect_vreg.scatter [tilespmem:s18], [sflag:$0x1], $0x80, v3, vm0, $0xb8;
	[tilespmem:$0x10100] =	vst v63  }
.Ltmp0:
0xce: {  	_ = 	snop;
	(pc) =	sbr.rel @p0 .LBB2_1-.Ltmp0, $4  }
0xcf: {  	[hbm4b:s6+s1] =	stream.indirect_vreg.scatter [tilespmem:s0], [sflag:$0x1], $0x80, v3, vm0, $0xb8;
	[tilespmem:$0x10100] =	vst v63  }
0xd0: {  	_ =	swait.ge [sflag:s16], $0x10000  }
0xd1: {  	[sflag:s16] =	ssyncset.done $0x0  }
0xd2: {  	s7 =	sadd.s32 $0xFFFFFFFF, s7;
	[sflag:s16] =	ssyncadd.s32 $0xFFFF0000  }
0xd3: {  	_ =	sfence.sel $0x180000  }
0xd4: {  	[bflag:$0x0] =	sbarrier.arrive $0xFFFF  }
0xd5: {  	_ =	strace $0x90000047  }
0xd6: {  	s0 =	stileid.u32;
	[bflag:$0x2] =	sbarrier.arrive $0xFFFF  }
0xd7: {  	p0 =	sne.s32 s0, $0x0;
	s0 =	rddreg [dreg:$0x2]  }
0xd8: {  	s0 =	sadd.s32 @!p0 $0x100000, s0  }
0xd9: {  	[sflag:s0] =	ssyncadd.tile.s32 @!p0 $0x1;
	_ =	shalt  }
.Lfunc_end2:
_tile_overlayer_lowered:
.L_overlay_start_2:
0xda: {  	(tag) =	ssettag $0x2  }
0xdb: {  	s0 =	rddreg [dreg:$0x0];
	s2 =	stileid.u32  }
0xdc: {  	s1 =	rddreg [dreg:$0x1];
	p0 =	sne.s32 s2, $0x0  }
0xdd: {  	s3 =	rddreg [dreg:$0x2];
	[bflag:$0x3] =	sbarrier.arrive $0xFFFF;
	s2 =	simm.s32 @!p0 $0x1C02  }
0xde: {  	[timem:s3], [sflag:s2] =	dma.local @!p0 [hbm:s0], s1  }
0xdf: {  	s0 =	simm.s32 @!p0 $0x2  }
0xe0: {  	_ =	swait.ge @!p0 [sflag:s0], s1  }
0xe1: {  	s1 =	ssub.s32 @!p0 $0x0, s1;
	[sflag:s0] =	ssyncset.done @!p0 $0x0  }
0xe2: {  	[sflag:s0] =	ssyncadd.s32 @!p0 s1  }
0xe3: {  	[bflag:$0x3] =	sbarrier.arrive $0xFFFF  }
0xe4: {  	_ =	shalt  }

</sc_bundles>
